<compile_context>
chip_gen: v7x
topology: tpu7x:2x2x1
jax: 0.10.2.dev20260603
libtpu: 0.0.44.dev20260713+nightly
codegen_flags: <defaults>
</compile_context>

<pallas_src>
import functools

import jax
import jax.numpy as jnp
from jax import lax
from jax.experimental import pallas as pl
from jax.experimental.pallas import tpu as pltpu
from jax.experimental.pallas import tpu_sc as plsc

_NUM_CORES = 2
_NUM_SUBCORES = 16
_NUM_WORKERS = _NUM_CORES * _NUM_SUBCORES
_CHUNK = 128
_NBUF = 4
_LANES = 128


@functools.lru_cache(maxsize=None)
def _make_lookup(n_idx, embed_dim):
    assert n_idx % (_NUM_WORKERS * _CHUNK) == 0
    n_chunks = n_idx // (_NUM_WORKERS * _CHUNK)
    assert n_chunks % _NBUF == 0 and n_chunks // _NBUF >= 2
    n_outer = n_chunks // _NBUF
    per_w = n_chunks * _CHUNK
    mesh = plsc.VectorSubcoreMesh(core_axis_name="c", subcore_axis_name="s")

    def body(table_hbm, idx_hbm, out_hbm, idx_v, rows_v, sem_g, sem_w):
        wid = lax.axis_index("s") * _NUM_CORES + lax.axis_index("c")
        base = wid * per_w
        pltpu.sync_copy(idx_hbm.at[wid], idx_v)

        def gather_start(g, slot):
            pltpu.async_copy(
                table_hbm.at[idx_v.at[g]], rows_v.at[slot], sem_g.at[slot]
            )

        def gather_wait(slot):
            pltpu.make_async_copy(
                table_hbm.at[idx_v.at[0]], rows_v.at[slot], sem_g.at[slot]
            ).wait()

        def write_start(g, slot):
            pltpu.async_copy(
                rows_v.at[slot],
                out_hbm.at[pl.ds(base + g * _CHUNK, _CHUNK)],
                sem_w.at[slot],
            )

        def write_wait(slot):
            pltpu.make_async_copy(
                rows_v.at[slot],
                out_hbm.at[pl.ds(base, _CHUNK)],
                sem_w.at[slot],
            ).wait()

        for b in range(_NBUF - 1):
            gather_start(b, b)

        def block(g0, first, last):
            for b in range(_NBUF):
                g = g0 + b
                gather_wait(b)
                write_start(g, b)
                if last and b > 0:
                    continue
                b2 = (b - 1) % _NBUF
                if not (first and b == 0):
                    write_wait(b2)
                gather_start(g + _NBUF - 1, b2)

        block(0, first=True, last=False)

        def outer(i, carry):
            block(i * _NBUF, first=False, last=False)
            return carry

        lax.fori_loop(1, n_outer - 1, outer, 0)
        block((n_outer - 1) * _NBUF, first=False, last=True)

        for b in range(_NBUF):
            write_wait(b)

    return pl.kernel(
        body,
        out_type=jax.ShapeDtypeStruct((n_idx, _LANES), jnp.float32),
        mesh=mesh,
        scratch_types=[
            pltpu.VMEM((n_chunks, _CHUNK), jnp.int32),
            pltpu.VMEM((_NBUF, _CHUNK, _LANES), jnp.float32),
            pltpu.SemaphoreType.DMA((_NBUF,)),
            pltpu.SemaphoreType.DMA((_NBUF,)),
        ],
        compiler_params=pltpu.CompilerParams(use_tc_tiling_on_sc=True),
    )


def kernel(token_ids, embedding):
    b, l = token_ids.shape
    n_idx = b * l
    embed_dim = embedding.shape[1]
    table_p = jnp.pad(embedding, ((0, 0), (0, _LANES - embed_dim)))
    idx = token_ids.reshape(_NUM_WORKERS, -1, _CHUNK).astype(jnp.int32)
    out = _make_lookup(n_idx, embed_dim)(table_p, idx)
    out = lax.slice(out, (0, 0), (n_idx, embed_dim))
    return out.reshape(b, l, embed_dim)

# --- scband reference (transcript-rebuilt; emitter-appended) ---
"""Pipeline reference for scband-embedding-22101901705903 (READ-ONLY COPY).

The authoritative reference and input builder live on the scoring server;
editing this copy changes nothing except your own understanding.
"""

import jax, jax.numpy as jnp
import numpy as np

NUM_EMBEDDINGS = 1000000
EMBED_DIM = 64

def _trunc_normal(key, shape, mean=0.0, std=1.0, a=-3.0, b=3.0):
    # truncated normal in [a, b] (in std units relative to mean when std=1)
    u = jax.random.truncated_normal(key, (a - mean) / std, (b - mean) / std, shape, dtype=jnp.float32)
    return u * std + mean

def setup_inputs(seed: int = 0) -> dict:
    key = jax.random.key(seed)
    k_idx, k_tab = jax.random.split(key)
    token_ids = jax.random.randint(k_idx, (4096, 200), 0, NUM_EMBEDDINGS, dtype=jnp.int64 if jax.config.jax_enable_x64 else jnp.int32)
    embedding = _trunc_normal(k_tab, (NUM_EMBEDDINGS, EMBED_DIM))
    return {"token_ids": token_ids, "embedding": embedding}

def reference(token_ids, embedding):
    # Faithful semantics of the torch module's forward: per-(i,j) row lookup
    # into the embedding table, producing [B, L, embed_dim].
    return jnp.take(embedding, token_ids, axis=0)

if __name__ == "__main__":
    import jax
    _d = setup_inputs()
    print(jax.jit(kernel)(*tuple(_d.values())))

</pallas_src>

<mosaic_0001>
#map = affine_map<(d0, d1) -> (0, 0)>
#map1 = affine_map<(d0, d1) -> (0, 0, 0)>
module attributes {stable_mosaic.version = 14 : i64} {
  func.func @body(%arg0: i32, %arg1: i32, %arg2: memref<1000000x128xf32, #tpu.memory_space<hbm>>, %arg3: memref<32x200x128xi32, #tpu.memory_space<hbm>>, %arg4: memref<819200x128xf32, #tpu.memory_space<hbm>>, %arg5: memref<200x128xi32, #tpu.memory_space<vmem>>, %arg6: memref<4x128x128xf32, #tpu.memory_space<vmem>>, %arg7: memref<4x!tpu.dma_semaphore, #tpu.memory_space<semaphore_mem>>, %arg8: memref<4x!tpu.dma_semaphore, #tpu.memory_space<semaphore_mem>>) attributes {dimension_semantics = [#tpu.dimension_semantics<core_parallel>, #tpu.dimension_semantics<subcore_parallel>], iteration_bounds = array<i64: 2, 16>, scalar_prefetch = 0 : i64, scratch_operands = 4 : i64, tpu.core_type = #tpu.core_type<sc_vector_subcore>, window_params = [{transform_indices = #map}, {transform_indices = #map1}, {transform_indices = #map}]} {
    %mul3A = arith.constant 2 : i32
    %mul3A_0 = arith.muli %arg1, %mul3A : i32
    %add3A = arith.addi %mul3A_0, %arg0 : i32
    %mul3A_1 = arith.constant 25600 : i32
    %mul3A_2 = arith.muli %add3A, %mul3A_1 : i32
    "tpu.region"() ({
      %run_scoped3A = tpu.sem_alloc : memref<!tpu.dma_semaphore, #tpu.memory_space<semaphore_mem>>
      %dma_start3A_518 = arith.constant 0 : i32
      %dma_start3A_519 = arith.constant 0 : i32
      %dma_start3A_520 = tpu.memref_slice %arg3[%add3A, %dma_start3A_518, %dma_start3A_519] : memref<32x200x128xi32, #tpu.memory_space<hbm>> -> memref<1x200x128xi32, #tpu.memory_space<hbm>>
      %dma_start3A_521 = tpu.memref_squeeze %dma_start3A_520 : memref<1x200x128xi32, #tpu.memory_space<hbm>> -> memref<200x128xi32, #tpu.memory_space<hbm>>
      %dma_start3A_522 = arith.constant 0 : i32
      %dma_start3A_523 = arith.constant 0 : i32
      %dma_start3A_524 = tpu.memref_slice %arg3[%add3A, %dma_start3A_522, %dma_start3A_523] : memref<32x200x128xi32, #tpu.memory_space<hbm>> -> memref<1x200x128xi32, #tpu.memory_space<hbm>>
      %dma_start3A_525 = tpu.memref_squeeze %dma_start3A_524 : memref<1x200x128xi32, #tpu.memory_space<hbm>> -> memref<200x128xi32, #tpu.memory_space<hbm>>
      tpu.enqueue_dma source(%dma_start3A_525 : memref<200x128xi32, #tpu.memory_space<hbm>>) target(%arg5 : memref<200x128xi32, #tpu.memory_space<vmem>>) target_semaphore(%run_scoped3A : memref<!tpu.dma_semaphore, #tpu.memory_space<semaphore_mem>>)
      %dma_wait3A_526 = arith.constant 0 : i32
      %dma_wait3A_527 = arith.constant 0 : i32
      %dma_wait3A_528 = tpu.memref_slice %arg3[%add3A, %dma_wait3A_526, %dma_wait3A_527] : memref<32x200x128xi32, #tpu.memory_space<hbm>> -> memref<1x200x128xi32, #tpu.memory_space<hbm>>
      %dma_wait3A_529 = tpu.memref_squeeze %dma_wait3A_528 : memref<1x200x128xi32, #tpu.memory_space<hbm>> -> memref<200x128xi32, #tpu.memory_space<hbm>>
      %dma_wait3A_530 = arith.constant 0 : i32
      %dma_wait3A_531 = arith.constant 0 : i32
      %dma_wait3A_532 = tpu.memref_slice %arg3[%add3A, %dma_wait3A_530, %dma_wait3A_531] : memref<32x200x128xi32, #tpu.memory_space<hbm>> -> memref<1x200x128xi32, #tpu.memory_space<hbm>>
      %dma_wait3A_533 = tpu.memref_squeeze %dma_wait3A_532 : memref<1x200x128xi32, #tpu.memory_space<hbm>> -> memref<200x128xi32, #tpu.memory_space<hbm>>
      tpu.wait_dma2 semaphore(%run_scoped3A : memref<!tpu.dma_semaphore, #tpu.memory_space<semaphore_mem>>) src(%dma_wait3A_533 : memref<200x128xi32, #tpu.memory_space<hbm>>) dst(%arg5 : memref<200x128xi32, #tpu.memory_space<vmem>>)
      tpu.yield
    }) : () -> ()
    %dma_start3A = arith.constant 0 : i32
    %dma_start3A_3 = arith.constant 0 : i32
    %dma_start3A_4 = arith.constant 0 : i32
    %dma_start3A_5 = arith.constant 0 : i32
    %dma_start3A_6 = arith.constant 0 : i32
    %dma_start3A_7 = tpu.memref_slice %arg6[%dma_start3A_3, %dma_start3A_5, %dma_start3A_6] : memref<4x128x128xf32, #tpu.memory_space<vmem>> -> memref<1x128x128xf32, #tpu.memory_space<vmem>>
    %dma_start3A_8 = tpu.memref_squeeze %dma_start3A_7 : memref<1x128x128xf32, #tpu.memory_space<vmem>> -> memref<128x128xf32, #tpu.memory_space<vmem>>
    %dma_start3A_9 = arith.constant 0 : i32
    %dma_start3A_10 = tpu.memref_slice %arg5[%dma_start3A, %dma_start3A_9] : memref<200x128xi32, #tpu.memory_space<vmem>> -> memref<1x128xi32, #tpu.memory_space<vmem>>
    %dma_start3A_11 = tpu.memref_squeeze %dma_start3A_10 : memref<1x128xi32, #tpu.memory_space<vmem>> -> memref<128xi32, #tpu.memory_space<vmem>>
    %dma_start3A_12 = arith.constant 0 : i32
    %dma_start3A_13 = arith.constant 0 : i32
    %dma_start3A_14 = tpu.memref_slice %arg2[%dma_start3A_12, %dma_start3A_13] : memref<1000000x128xf32, #tpu.memory_space<hbm>> -> memref<1000000x128xf32, #tpu.memory_space<hbm>>
    %dma_start3A_15 = tpu.memref_slice %arg7[%dma_start3A_4] : memref<4x!tpu.dma_semaphore, #tpu.memory_space<semaphore_mem>> -> memref<1x!tpu.dma_semaphore, #tpu.memory_space<semaphore_mem>>
    %dma_start3A_16 = tpu.memref_squeeze %dma_start3A_15 : memref<1x!tpu.dma_semaphore, #tpu.memory_space<semaphore_mem>> -> memref<!tpu.dma_semaphore, #tpu.memory_space<semaphore_mem>>
    tpu.enqueue_indirect_dma source(%dma_start3A_14 : memref<1000000x128xf32, #tpu.memory_space<hbm>>) target(%dma_start3A_8 : memref<128x128xf32, #tpu.memory_space<vmem>>) offsets(%dma_start3A_11 : memref<128xi32, #tpu.memory_space<vmem>>) semaphore(%dma_start3A_16 : memref<!tpu.dma_semaphore, #tpu.memory_space<semaphore_mem>>)
    %dma_start3A_17 = arith.constant 1 : i32
    %dma_start3A_18 = arith.constant 1 : i32
    %dma_start3A_19 = arith.constant 1 : i32
    %dma_start3A_20 = arith.constant 0 : i32
    %dma_start3A_21 = arith.constant 0 : i32
    %dma_start3A_22 = tpu.memref_slice %arg6[%dma_start3A_18, %dma_start3A_20, %dma_start3A_21] : memref<4x128x128xf32, #tpu.memory_space<vmem>> -> memref<1x128x128xf32, #tpu.memory_space<vmem>>
    %dma_start3A_23 = tpu.memref_squeeze %dma_start3A_22 : memref<1x128x128xf32, #tpu.memory_space<vmem>> -> memref<128x128xf32, #tpu.memory_space<vmem>>
    %dma_start3A_24 = arith.constant 0 : i32
    %dma_start3A_25 = tpu.memref_slice %arg5[%dma_start3A_17, %dma_start3A_24] : memref<200x128xi32, #tpu.memory_space<vmem>> -> memref<1x128xi32, #tpu.memory_space<vmem>>
    %dma_start3A_26 = tpu.memref_squeeze %dma_start3A_25 : memref<1x128xi32, #tpu.memory_space<vmem>> -> memref<128xi32, #tpu.memory_space<vmem>>
    %dma_start3A_27 = arith.constant 0 : i32
    %dma_start3A_28 = arith.constant 0 : i32
    %dma_start3A_29 = tpu.memref_slice %arg2[%dma_start3A_27, %dma_start3A_28] : memref<1000000x128xf32, #tpu.memory_space<hbm>> -> memref<1000000x128xf32, #tpu.memory_space<hbm>>
    %dma_start3A_30 = tpu.memref_slice %arg7[%dma_start3A_19] : memref<4x!tpu.dma_semaphore, #tpu.memory_space<semaphore_mem>> -> memref<1x!tpu.dma_semaphore, #tpu.memory_space<semaphore_mem>>
    %dma_start3A_31 = tpu.memref_squeeze %dma_start3A_30 : memref<1x!tpu.dma_semaphore, #tpu.memory_space<semaphore_mem>> -> memref<!tpu.dma_semaphore, #tpu.memory_space<semaphore_mem>>
    tpu.enqueue_indirect_dma source(%dma_start3A_29 : memref<1000000x128xf32, #tpu.memory_space<hbm>>) target(%dma_start3A_23 : memref<128x128xf32, #tpu.memory_space<vmem>>) offsets(%dma_start3A_26 : memref<128xi32, #tpu.memory_space<vmem>>) semaphore(%dma_start3A_31 : memref<!tpu.dma_semaphore, #tpu.memory_space<semaphore_mem>>)
    %dma_start3A_32 = arith.constant 2 : i32
    %dma_start3A_33 = arith.constant 2 : i32
    %dma_start3A_34 = arith.constant 2 : i32
    %dma_start3A_35 = arith.constant 0 : i32
    %dma_start3A_36 = arith.constant 0 : i32
    %dma_start3A_37 = tpu.memref_slice %arg6[%dma_start3A_33, %dma_start3A_35, %dma_start3A_36] : memref<4x128x128xf32, #tpu.memory_space<vmem>> -> memref<1x128x128xf32, #tpu.memory_space<vmem>>
    %dma_start3A_38 = tpu.memref_squeeze %dma_start3A_37 : memref<1x128x128xf32, #tpu.memory_space<vmem>> -> memref<128x128xf32, #tpu.memory_space<vmem>>
    %dma_start3A_39 = arith.constant 0 : i32
    %dma_start3A_40 = tpu.memref_slice %arg5[%dma_start3A_32, %dma_start3A_39] : memref<200x128xi32, #tpu.memory_space<vmem>> -> memref<1x128xi32, #tpu.memory_space<vmem>>
    %dma_start3A_41 = tpu.memref_squeeze %dma_start3A_40 : memref<1x128xi32, #tpu.memory_space<vmem>> -> memref<128xi32, #tpu.memory_space<vmem>>
    %dma_start3A_42 = arith.constant 0 : i32
    %dma_start3A_43 = arith.constant 0 : i32
    %dma_start3A_44 = tpu.memref_slice %arg2[%dma_start3A_42, %dma_start3A_43] : memref<1000000x128xf32, #tpu.memory_space<hbm>> -> memref<1000000x128xf32, #tpu.memory_space<hbm>>
    %dma_start3A_45 = tpu.memref_slice %arg7[%dma_start3A_34] : memref<4x!tpu.dma_semaphore, #tpu.memory_space<semaphore_mem>> -> memref<1x!tpu.dma_semaphore, #tpu.memory_space<semaphore_mem>>
    %dma_start3A_46 = tpu.memref_squeeze %dma_start3A_45 : memref<1x!tpu.dma_semaphore, #tpu.memory_space<semaphore_mem>> -> memref<!tpu.dma_semaphore, #tpu.memory_space<semaphore_mem>>
    tpu.enqueue_indirect_dma source(%dma_start3A_44 : memref<1000000x128xf32, #tpu.memory_space<hbm>>) target(%dma_start3A_38 : memref<128x128xf32, #tpu.memory_space<vmem>>) offsets(%dma_start3A_41 : memref<128xi32, #tpu.memory_space<vmem>>) semaphore(%dma_start3A_46 : memref<!tpu.dma_semaphore, #tpu.memory_space<semaphore_mem>>)
    %dma_wait3A = arith.constant 0 : i32
    %dma_wait3A_47 = arith.constant 0 : i32
    %dma_wait3A_48 = arith.constant 0 : i32
    %dma_wait3A_49 = arith.constant 0 : i32
    %dma_wait3A_50 = arith.constant 0 : i32
    %dma_wait3A_51 = tpu.memref_slice %arg6[%dma_wait3A_47, %dma_wait3A_49, %dma_wait3A_50] : memref<4x128x128xf32, #tpu.memory_space<vmem>> -> memref<1x128x128xf32, #tpu.memory_space<vmem>>
    %dma_wait3A_52 = tpu.memref_squeeze %dma_wait3A_51 : memref<1x128x128xf32, #tpu.memory_space<vmem>> -> memref<128x128xf32, #tpu.memory_space<vmem>>
    %dma_wait3A_53 = arith.constant 0 : i32
    %dma_wait3A_54 = tpu.memref_slice %arg5[%dma_wait3A, %dma_wait3A_53] : memref<200x128xi32, #tpu.memory_space<vmem>> -> memref<1x128xi32, #tpu.memory_space<vmem>>
    %dma_wait3A_55 = tpu.memref_squeeze %dma_wait3A_54 : memref<1x128xi32, #tpu.memory_space<vmem>> -> memref<128xi32, #tpu.memory_space<vmem>>
    %dma_wait3A_56 = arith.constant 0 : i32
    %dma_wait3A_57 = arith.constant 0 : i32
    %dma_wait3A_58 = tpu.memref_slice %arg2[%dma_wait3A_56, %dma_wait3A_57] : memref<1000000x128xf32, #tpu.memory_space<hbm>> -> memref<1000000x128xf32, #tpu.memory_space<hbm>>
    %dma_wait3A_59 = tpu.memref_slice %arg7[%dma_wait3A_48] : memref<4x!tpu.dma_semaphore, #tpu.memory_space<semaphore_mem>> -> memref<1x!tpu.dma_semaphore, #tpu.memory_space<semaphore_mem>>
    %dma_wait3A_60 = tpu.memref_squeeze %dma_wait3A_59 : memref<1x!tpu.dma_semaphore, #tpu.memory_space<semaphore_mem>> -> memref<!tpu.dma_semaphore, #tpu.memory_space<semaphore_mem>>
    tpu.wait_indirect_dma semaphore(%dma_wait3A_60 : memref<!tpu.dma_semaphore, #tpu.memory_space<semaphore_mem>>) src(%dma_wait3A_58 : memref<1000000x128xf32, #tpu.memory_space<hbm>>) dst(%dma_wait3A_52 : memref<128x128xf32, #tpu.memory_space<vmem>>)
    %add3A_61 = arith.constant 0 : i32
    %add3A_62 = arith.addi %mul3A_2, %add3A_61 : i32
    %dma_start3A_63 = arith.constant 0 : i32
    %dma_start3A_64 = arith.constant 0 : i32
    %dma_start3A_65 = arith.constant 0 : i32
    %dma_start3A_66 = arith.constant 0 : i32
    %dma_start3A_67 = tpu.memref_slice %arg6[%dma_start3A_63, %dma_start3A_65, %dma_start3A_66] : memref<4x128x128xf32, #tpu.memory_space<vmem>> -> memref<1x128x128xf32, #tpu.memory_space<vmem>>
    %dma_start3A_68 = tpu.memref_squeeze %dma_start3A_67 : memref<1x128x128xf32, #tpu.memory_space<vmem>> -> memref<128x128xf32, #tpu.memory_space<vmem>>
    %dma_start3A_69 = arith.constant 0 : i32
    %dma_start3A_70 = tpu.memref_slice %arg4[%add3A_62, %dma_start3A_69] : memref<819200x128xf32, #tpu.memory_space<hbm>> -> memref<128x128xf32, #tpu.memory_space<hbm>>
    %dma_start3A_71 = tpu.memref_slice %arg8[%dma_start3A_64] : memref<4x!tpu.dma_semaphore, #tpu.memory_space<semaphore_mem>> -> memref<1x!tpu.dma_semaphore, #tpu.memory_space<semaphore_mem>>
    %dma_start3A_72 = tpu.memref_squeeze %dma_start3A_71 : memref<1x!tpu.dma_semaphore, #tpu.memory_space<semaphore_mem>> -> memref<!tpu.dma_semaphore, #tpu.memory_space<semaphore_mem>>
    %dma_start3A_73 = arith.constant 0 : i32
    %dma_start3A_74 = tpu.memref_slice %arg4[%add3A_62, %dma_start3A_73] : memref<819200x128xf32, #tpu.memory_space<hbm>> -> memref<128x128xf32, #tpu.memory_space<hbm>>
    %dma_start3A_75 = arith.constant 0 : i32
    %dma_start3A_76 = arith.constant 0 : i32
    %dma_start3A_77 = tpu.memref_slice %arg6[%dma_start3A_63, %dma_start3A_75, %dma_start3A_76] : memref<4x128x128xf32, #tpu.memory_space<vmem>> -> memref<1x128x128xf32, #tpu.memory_space<vmem>>
    %dma_start3A_78 = tpu.memref_squeeze %dma_start3A_77 : memref<1x128x128xf32, #tpu.memory_space<vmem>> -> memref<128x128xf32, #tpu.memory_space<vmem>>
    tpu.enqueue_dma source(%dma_start3A_78 : memref<128x128xf32, #tpu.memory_space<vmem>>) target(%dma_start3A_74 : memref<128x128xf32, #tpu.memory_space<hbm>>) target_semaphore(%dma_start3A_72 : memref<!tpu.dma_semaphore, #tpu.memory_space<semaphore_mem>>)
    %dma_start3A_79 = arith.constant 3 : i32
    %dma_start3A_80 = arith.constant 3 : i32
    %dma_start3A_81 = arith.constant 3 : i32
    %dma_start3A_82 = arith.constant 0 : i32
    %dma_start3A_83 = arith.constant 0 : i32
    %dma_start3A_84 = tpu.memref_slice %arg6[%dma_start3A_80, %dma_start3A_82, %dma_start3A_83] : memref<4x128x128xf32, #tpu.memory_space<vmem>> -> memref<1x128x128xf32, #tpu.memory_space<vmem>>
    %dma_start3A_85 = tpu.memref_squeeze %dma_start3A_84 : memref<1x128x128xf32, #tpu.memory_space<vmem>> -> memref<128x128xf32, #tpu.memory_space<vmem>>
    %dma_start3A_86 = arith.constant 0 : i32
    %dma_start3A_87 = tpu.memref_slice %arg5[%dma_start3A_79, %dma_start3A_86] : memref<200x128xi32, #tpu.memory_space<vmem>> -> memref<1x128xi32, #tpu.memory_space<vmem>>
    %dma_start3A_88 = tpu.memref_squeeze %dma_start3A_87 : memref<1x128xi32, #tpu.memory_space<vmem>> -> memref<128xi32, #tpu.memory_space<vmem>>
    %dma_start3A_89 = arith.constant 0 : i32
    %dma_start3A_90 = arith.constant 0 : i32
    %dma_start3A_91 = tpu.memref_slice %arg2[%dma_start3A_89, %dma_start3A_90] : memref<1000000x128xf32, #tpu.memory_space<hbm>> -> memref<1000000x128xf32, #tpu.memory_space<hbm>>
    %dma_start3A_92 = tpu.memref_slice %arg7[%dma_start3A_81] : memref<4x!tpu.dma_semaphore, #tpu.memory_space<semaphore_mem>> -> memref<1x!tpu.dma_semaphore, #tpu.memory_space<semaphore_mem>>
    %dma_start3A_93 = tpu.memref_squeeze %dma_start3A_92 : memref<1x!tpu.dma_semaphore, #tpu.memory_space<semaphore_mem>> -> memref<!tpu.dma_semaphore, #tpu.memory_space<semaphore_mem>>
    tpu.enqueue_indirect_dma source(%dma_start3A_91 : memref<1000000x128xf32, #tpu.memory_space<hbm>>) target(%dma_start3A_85 : memref<128x128xf32, #tpu.memory_space<vmem>>) offsets(%dma_start3A_88 : memref<128xi32, #tpu.memory_space<vmem>>) semaphore(%dma_start3A_93 : memref<!tpu.dma_semaphore, #tpu.memory_space<semaphore_mem>>)
    %dma_wait3A_94 = arith.constant 0 : i32
    %dma_wait3A_95 = arith.constant 1 : i32
    %dma_wait3A_96 = arith.constant 1 : i32
    %dma_wait3A_97 = arith.constant 0 : i32
    %dma_wait3A_98 = arith.constant 0 : i32
    %dma_wait3A_99 = tpu.memref_slice %arg6[%dma_wait3A_95, %dma_wait3A_97, %dma_wait3A_98] : memref<4x128x128xf32, #tpu.memory_space<vmem>> -> memref<1x128x128xf32, #tpu.memory_space<vmem>>
    %dma_wait3A_100 = tpu.memref_squeeze %dma_wait3A_99 : memref<1x128x128xf32, #tpu.memory_space<vmem>> -> memref<128x128xf32, #tpu.memory_space<vmem>>
    %dma_wait3A_101 = arith.constant 0 : i32
    %dma_wait3A_102 = tpu.memref_slice %arg5[%dma_wait3A_94, %dma_wait3A_101] : memref<200x128xi32, #tpu.memory_space<vmem>> -> memref<1x128xi32, #tpu.memory_space<vmem>>
    %dma_wait3A_103 = tpu.memref_squeeze %dma_wait3A_102 : memref<1x128xi32, #tpu.memory_space<vmem>> -> memref<128xi32, #tpu.memory_space<vmem>>
    %dma_wait3A_104 = arith.constant 0 : i32
    %dma_wait3A_105 = arith.constant 0 : i32
    %dma_wait3A_106 = tpu.memref_slice %arg2[%dma_wait3A_104, %dma_wait3A_105] : memref<1000000x128xf32, #tpu.memory_space<hbm>> -> memref<1000000x128xf32, #tpu.memory_space<hbm>>
    %dma_wait3A_107 = tpu.memref_slice %arg7[%dma_wait3A_96] : memref<4x!tpu.dma_semaphore, #tpu.memory_space<semaphore_mem>> -> memref<1x!tpu.dma_semaphore, #tpu.memory_space<semaphore_mem>>
    %dma_wait3A_108 = tpu.memref_squeeze %dma_wait3A_107 : memref<1x!tpu.dma_semaphore, #tpu.memory_space<semaphore_mem>> -> memref<!tpu.dma_semaphore, #tpu.memory_space<semaphore_mem>>
    tpu.wait_indirect_dma semaphore(%dma_wait3A_108 : memref<!tpu.dma_semaphore, #tpu.memory_space<semaphore_mem>>) src(%dma_wait3A_106 : memref<1000000x128xf32, #tpu.memory_space<hbm>>) dst(%dma_wait3A_100 : memref<128x128xf32, #tpu.memory_space<vmem>>)
    %add3A_109 = arith.constant 128 : i32
    %add3A_110 = arith.addi %mul3A_2, %add3A_109 : i32
    %dma_start3A_111 = arith.constant 1 : i32
    %dma_start3A_112 = arith.constant 1 : i32
    %dma_start3A_113 = arith.constant 0 : i32
    %dma_start3A_114 = arith.constant 0 : i32
    %dma_start3A_115 = tpu.memref_slice %arg6[%dma_start3A_111, %dma_start3A_113, %dma_start3A_114] : memref<4x128x128xf32, #tpu.memory_space<vmem>> -> memref<1x128x128xf32, #tpu.memory_space<vmem>>
    %dma_start3A_116 = tpu.memref_squeeze %dma_start3A_115 : memref<1x128x128xf32, #tpu.memory_space<vmem>> -> memref<128x128xf32, #tpu.memory_space<vmem>>
    %dma_start3A_117 = arith.constant 0 : i32
    %dma_start3A_118 = tpu.memref_slice %arg4[%add3A_110, %dma_start3A_117] : memref<819200x128xf32, #tpu.memory_space<hbm>> -> memref<128x128xf32, #tpu.memory_space<hbm>>
    %dma_start3A_119 = tpu.memref_slice %arg8[%dma_start3A_112] : memref<4x!tpu.dma_semaphore, #tpu.memory_space<semaphore_mem>> -> memref<1x!tpu.dma_semaphore, #tpu.memory_space<semaphore_mem>>
    %dma_start3A_120 = tpu.memref_squeeze %dma_start3A_119 : memref<1x!tpu.dma_semaphore, #tpu.memory_space<semaphore_mem>> -> memref<!tpu.dma_semaphore, #tpu.memory_space<semaphore_mem>>
    %dma_start3A_121 = arith.constant 0 : i32
    %dma_start3A_122 = tpu.memref_slice %arg4[%add3A_110, %dma_start3A_121] : memref<819200x128xf32, #tpu.memory_space<hbm>> -> memref<128x128xf32, #tpu.memory_space<hbm>>
    %dma_start3A_123 = arith.constant 0 : i32
    %dma_start3A_124 = arith.constant 0 : i32
    %dma_start3A_125 = tpu.memref_slice %arg6[%dma_start3A_111, %dma_start3A_123, %dma_start3A_124] : memref<4x128x128xf32, #tpu.memory_space<vmem>> -> memref<1x128x128xf32, #tpu.memory_space<vmem>>
    %dma_start3A_126 = tpu.memref_squeeze %dma_start3A_125 : memref<1x128x128xf32, #tpu.memory_space<vmem>> -> memref<128x128xf32, #tpu.memory_space<vmem>>
    tpu.enqueue_dma source(%dma_start3A_126 : memref<128x128xf32, #tpu.memory_space<vmem>>) target(%dma_start3A_122 : memref<128x128xf32, #tpu.memory_space<hbm>>) target_semaphore(%dma_start3A_120 : memref<!tpu.dma_semaphore, #tpu.memory_space<semaphore_mem>>)
    %dma_wait3A_127 = arith.constant 0 : i32
    %dma_wait3A_128 = arith.constant 0 : i32
    %dma_wait3A_129 = arith.constant 0 : i32
    %dma_wait3A_130 = arith.constant 0 : i32
    %dma_wait3A_131 = tpu.memref_slice %arg6[%dma_wait3A_127, %dma_wait3A_129, %dma_wait3A_130] : memref<4x128x128xf32, #tpu.memory_space<vmem>> -> memref<1x128x128xf32, #tpu.memory_space<vmem>>
    %dma_wait3A_132 = tpu.memref_squeeze %dma_wait3A_131 : memref<1x128x128xf32, #tpu.memory_space<vmem>> -> memref<128x128xf32, #tpu.memory_space<vmem>>
    %dma_wait3A_133 = arith.constant 0 : i32
    %dma_wait3A_134 = tpu.memref_slice %arg4[%mul3A_2, %dma_wait3A_133] : memref<819200x128xf32, #tpu.memory_space<hbm>> -> memref<128x128xf32, #tpu.memory_space<hbm>>
    %dma_wait3A_135 = tpu.memref_slice %arg8[%dma_wait3A_128] : memref<4x!tpu.dma_semaphore, #tpu.memory_space<semaphore_mem>> -> memref<1x!tpu.dma_semaphore, #tpu.memory_space<semaphore_mem>>
    %dma_wait3A_136 = tpu.memref_squeeze %dma_wait3A_135 : memref<1x!tpu.dma_semaphore, #tpu.memory_space<semaphore_mem>> -> memref<!tpu.dma_semaphore, #tpu.memory_space<semaphore_mem>>
    %dma_wait3A_137 = arith.constant 0 : i32
    %dma_wait3A_138 = tpu.memref_slice %arg4[%mul3A_2, %dma_wait3A_137] : memref<819200x128xf32, #tpu.memory_space<hbm>> -> memref<128x128xf32, #tpu.memory_space<hbm>>
    %dma_wait3A_139 = arith.constant 0 : i32
    %dma_wait3A_140 = arith.constant 0 : i32
    %dma_wait3A_141 = tpu.memref_slice %arg6[%dma_wait3A_127, %dma_wait3A_139, %dma_wait3A_140] : memref<4x128x128xf32, #tpu.memory_space<vmem>> -> memref<1x128x128xf32, #tpu.memory_space<vmem>>
    %dma_wait3A_142 = tpu.memref_squeeze %dma_wait3A_141 : memref<1x128x128xf32, #tpu.memory_space<vmem>> -> memref<128x128xf32, #tpu.memory_space<vmem>>
    tpu.wait_dma2 semaphore(%dma_wait3A_136 : memref<!tpu.dma_semaphore, #tpu.memory_space<semaphore_mem>>) src(%dma_wait3A_142 : memref<128x128xf32, #tpu.memory_space<vmem>>) dst(%dma_wait3A_138 : memref<128x128xf32, #tpu.memory_space<hbm>>)
    %dma_start3A_143 = arith.constant 4 : i32
    %dma_start3A_144 = arith.constant 0 : i32
    %dma_start3A_145 = arith.constant 0 : i32
    %dma_start3A_146 = arith.constant 0 : i32
    %dma_start3A_147 = arith.constant 0 : i32
    %dma_start3A_148 = tpu.memref_slice %arg6[%dma_start3A_144, %dma_start3A_146, %dma_start3A_147] : memref<4x128x128xf32, #tpu.memory_space<vmem>> -> memref<1x128x128xf32, #tpu.memory_space<vmem>>
    %dma_start3A_149 = tpu.memref_squeeze %dma_start3A_148 : memref<1x128x128xf32, #tpu.memory_space<vmem>> -> memref<128x128xf32, #tpu.memory_space<vmem>>
    %dma_start3A_150 = arith.constant 0 : i32
    %dma_start3A_151 = tpu.memref_slice %arg5[%dma_start3A_143, %dma_start3A_150] : memref<200x128xi32, #tpu.memory_space<vmem>> -> memref<1x128xi32, #tpu.memory_space<vmem>>
    %dma_start3A_152 = tpu.memref_squeeze %dma_start3A_151 : memref<1x128xi32, #tpu.memory_space<vmem>> -> memref<128xi32, #tpu.memory_space<vmem>>
    %dma_start3A_153 = arith.constant 0 : i32
    %dma_start3A_154 = arith.constant 0 : i32
    %dma_start3A_155 = tpu.memref_slice %arg2[%dma_start3A_153, %dma_start3A_154] : memref<1000000x128xf32, #tpu.memory_space<hbm>> -> memref<1000000x128xf32, #tpu.memory_space<hbm>>
    %dma_start3A_156 = tpu.memref_slice %arg7[%dma_start3A_145] : memref<4x!tpu.dma_semaphore, #tpu.memory_space<semaphore_mem>> -> memref<1x!tpu.dma_semaphore, #tpu.memory_space<semaphore_mem>>
    %dma_start3A_157 = tpu.memref_squeeze %dma_start3A_156 : memref<1x!tpu.dma_semaphore, #tpu.memory_space<semaphore_mem>> -> memref<!tpu.dma_semaphore, #tpu.memory_space<semaphore_mem>>
    tpu.enqueue_indirect_dma source(%dma_start3A_155 : memref<1000000x128xf32, #tpu.memory_space<hbm>>) target(%dma_start3A_149 : memref<128x128xf32, #tpu.memory_space<vmem>>) offsets(%dma_start3A_152 : memref<128xi32, #tpu.memory_space<vmem>>) semaphore(%dma_start3A_157 : memref<!tpu.dma_semaphore, #tpu.memory_space<semaphore_mem>>)
    %dma_wait3A_158 = arith.constant 0 : i32
    %dma_wait3A_159 = arith.constant 2 : i32
    %dma_wait3A_160 = arith.constant 2 : i32
    %dma_wait3A_161 = arith.constant 0 : i32
    %dma_wait3A_162 = arith.constant 0 : i32
    %dma_wait3A_163 = tpu.memref_slice %arg6[%dma_wait3A_159, %dma_wait3A_161, %dma_wait3A_162] : memref<4x128x128xf32, #tpu.memory_space<vmem>> -> memref<1x128x128xf32, #tpu.memory_space<vmem>>
    %dma_wait3A_164 = tpu.memref_squeeze %dma_wait3A_163 : memref<1x128x128xf32, #tpu.memory_space<vmem>> -> memref<128x128xf32, #tpu.memory_space<vmem>>
    %dma_wait3A_165 = arith.constant 0 : i32
    %dma_wait3A_166 = tpu.memref_slice %arg5[%dma_wait3A_158, %dma_wait3A_165] : memref<200x128xi32, #tpu.memory_space<vmem>> -> memref<1x128xi32, #tpu.memory_space<vmem>>
    %dma_wait3A_167 = tpu.memref_squeeze %dma_wait3A_166 : memref<1x128xi32, #tpu.memory_space<vmem>> -> memref<128xi32, #tpu.memory_space<vmem>>
    %dma_wait3A_168 = arith.constant 0 : i32
    %dma_wait3A_169 = arith.constant 0 : i32
    %dma_wait3A_170 = tpu.memref_slice %arg2[%dma_wait3A_168, %dma_wait3A_169] : memref<1000000x128xf32, #tpu.memory_space<hbm>> -> memref<1000000x128xf32, #tpu.memory_space<hbm>>
    %dma_wait3A_171 = tpu.memref_slice %arg7[%dma_wait3A_160] : memref<4x!tpu.dma_semaphore, #tpu.memory_space<semaphore_mem>> -> memref<1x!tpu.dma_semaphore, #tpu.memory_space<semaphore_mem>>
    %dma_wait3A_172 = tpu.memref_squeeze %dma_wait3A_171 : memref<1x!tpu.dma_semaphore, #tpu.memory_space<semaphore_mem>> -> memref<!tpu.dma_semaphore, #tpu.memory_space<semaphore_mem>>
    tpu.wait_indirect_dma semaphore(%dma_wait3A_172 : memref<!tpu.dma_semaphore, #tpu.memory_space<semaphore_mem>>) src(%dma_wait3A_170 : memref<1000000x128xf32, #tpu.memory_space<hbm>>) dst(%dma_wait3A_164 : memref<128x128xf32, #tpu.memory_space<vmem>>)
    %add3A_173 = arith.constant 256 : i32
    %add3A_174 = arith.addi %mul3A_2, %add3A_173 : i32
    %dma_start3A_175 = arith.constant 2 : i32
    %dma_start3A_176 = arith.constant 2 : i32
    %dma_start3A_177 = arith.constant 0 : i32
    %dma_start3A_178 = arith.constant 0 : i32
    %dma_start3A_179 = tpu.memref_slice %arg6[%dma_start3A_175, %dma_start3A_177, %dma_start3A_178] : memref<4x128x128xf32, #tpu.memory_space<vmem>> -> memref<1x128x128xf32, #tpu.memory_space<vmem>>
    %dma_start3A_180 = tpu.memref_squeeze %dma_start3A_179 : memref<1x128x128xf32, #tpu.memory_space<vmem>> -> memref<128x128xf32, #tpu.memory_space<vmem>>
    %dma_start3A_181 = arith.constant 0 : i32
    %dma_start3A_182 = tpu.memref_slice %arg4[%add3A_174, %dma_start3A_181] : memref<819200x128xf32, #tpu.memory_space<hbm>> -> memref<128x128xf32, #tpu.memory_space<hbm>>
    %dma_start3A_183 = tpu.memref_slice %arg8[%dma_start3A_176] : memref<4x!tpu.dma_semaphore, #tpu.memory_space<semaphore_mem>> -> memref<1x!tpu.dma_semaphore, #tpu.memory_space<semaphore_mem>>
    %dma_start3A_184 = tpu.memref_squeeze %dma_start3A_183 : memref<1x!tpu.dma_semaphore, #tpu.memory_space<semaphore_mem>> -> memref<!tpu.dma_semaphore, #tpu.memory_space<semaphore_mem>>
    %dma_start3A_185 = arith.constant 0 : i32
    %dma_start3A_186 = tpu.memref_slice %arg4[%add3A_174, %dma_start3A_185] : memref<819200x128xf32, #tpu.memory_space<hbm>> -> memref<128x128xf32, #tpu.memory_space<hbm>>
    %dma_start3A_187 = arith.constant 0 : i32
    %dma_start3A_188 = arith.constant 0 : i32
    %dma_start3A_189 = tpu.memref_slice %arg6[%dma_start3A_175, %dma_start3A_187, %dma_start3A_188] : memref<4x128x128xf32, #tpu.memory_space<vmem>> -> memref<1x128x128xf32, #tpu.memory_space<vmem>>
    %dma_start3A_190 = tpu.memref_squeeze %dma_start3A_189 : memref<1x128x128xf32, #tpu.memory_space<vmem>> -> memref<128x128xf32, #tpu.memory_space<vmem>>
    tpu.enqueue_dma source(%dma_start3A_190 : memref<128x128xf32, #tpu.memory_space<vmem>>) target(%dma_start3A_186 : memref<128x128xf32, #tpu.memory_space<hbm>>) target_semaphore(%dma_start3A_184 : memref<!tpu.dma_semaphore, #tpu.memory_space<semaphore_mem>>)
    %dma_wait3A_191 = arith.constant 1 : i32
    %dma_wait3A_192 = arith.constant 1 : i32
    %dma_wait3A_193 = arith.constant 0 : i32
    %dma_wait3A_194 = arith.constant 0 : i32
    %dma_wait3A_195 = tpu.memref_slice %arg6[%dma_wait3A_191, %dma_wait3A_193, %dma_wait3A_194] : memref<4x128x128xf32, #tpu.memory_space<vmem>> -> memref<1x128x128xf32, #tpu.memory_space<vmem>>
    %dma_wait3A_196 = tpu.memref_squeeze %dma_wait3A_195 : memref<1x128x128xf32, #tpu.memory_space<vmem>> -> memref<128x128xf32, #tpu.memory_space<vmem>>
    %dma_wait3A_197 = arith.constant 0 : i32
    %dma_wait3A_198 = tpu.memref_slice %arg4[%mul3A_2, %dma_wait3A_197] : memref<819200x128xf32, #tpu.memory_space<hbm>> -> memref<128x128xf32, #tpu.memory_space<hbm>>
    %dma_wait3A_199 = tpu.memref_slice %arg8[%dma_wait3A_192] : memref<4x!tpu.dma_semaphore, #tpu.memory_space<semaphore_mem>> -> memref<1x!tpu.dma_semaphore, #tpu.memory_space<semaphore_mem>>
    %dma_wait3A_200 = tpu.memref_squeeze %dma_wait3A_199 : memref<1x!tpu.dma_semaphore, #tpu.memory_space<semaphore_mem>> -> memref<!tpu.dma_semaphore, #tpu.memory_space<semaphore_mem>>
    %dma_wait3A_201 = arith.constant 0 : i32
    %dma_wait3A_202 = tpu.memref_slice %arg4[%mul3A_2, %dma_wait3A_201] : memref<819200x128xf32, #tpu.memory_space<hbm>> -> memref<128x128xf32, #tpu.memory_space<hbm>>
    %dma_wait3A_203 = arith.constant 0 : i32
    %dma_wait3A_204 = arith.constant 0 : i32
    %dma_wait3A_205 = tpu.memref_slice %arg6[%dma_wait3A_191, %dma_wait3A_203, %dma_wait3A_204] : memref<4x128x128xf32, #tpu.memory_space<vmem>> -> memref<1x128x128xf32, #tpu.memory_space<vmem>>
    %dma_wait3A_206 = tpu.memref_squeeze %dma_wait3A_205 : memref<1x128x128xf32, #tpu.memory_space<vmem>> -> memref<128x128xf32, #tpu.memory_space<vmem>>
    tpu.wait_dma2 semaphore(%dma_wait3A_200 : memref<!tpu.dma_semaphore, #tpu.memory_space<semaphore_mem>>) src(%dma_wait3A_206 : memref<128x128xf32, #tpu.memory_space<vmem>>) dst(%dma_wait3A_202 : memref<128x128xf32, #tpu.memory_space<hbm>>)
    %dma_start3A_207 = arith.constant 5 : i32
    %dma_start3A_208 = arith.constant 1 : i32
    %dma_start3A_209 = arith.constant 1 : i32
    %dma_start3A_210 = arith.constant 0 : i32
    %dma_start3A_211 = arith.constant 0 : i32
    %dma_start3A_212 = tpu.memref_slice %arg6[%dma_start3A_208, %dma_start3A_210, %dma_start3A_211] : memref<4x128x128xf32, #tpu.memory_space<vmem>> -> memref<1x128x128xf32, #tpu.memory_space<vmem>>
    %dma_start3A_213 = tpu.memref_squeeze %dma_start3A_212 : memref<1x128x128xf32, #tpu.memory_space<vmem>> -> memref<128x128xf32, #tpu.memory_space<vmem>>
    %dma_start3A_214 = arith.constant 0 : i32
    %dma_start3A_215 = tpu.memref_slice %arg5[%dma_start3A_207, %dma_start3A_214] : memref<200x128xi32, #tpu.memory_space<vmem>> -> memref<1x128xi32, #tpu.memory_space<vmem>>
    %dma_start3A_216 = tpu.memref_squeeze %dma_start3A_215 : memref<1x128xi32, #tpu.memory_space<vmem>> -> memref<128xi32, #tpu.memory_space<vmem>>
    %dma_start3A_217 = arith.constant 0 : i32
    %dma_start3A_218 = arith.constant 0 : i32
    %dma_start3A_219 = tpu.memref_slice %arg2[%dma_start3A_217, %dma_start3A_218] : memref<1000000x128xf32, #tpu.memory_space<hbm>> -> memref<1000000x128xf32, #tpu.memory_space<hbm>>
    %dma_start3A_220 = tpu.memref_slice %arg7[%dma_start3A_209] : memref<4x!tpu.dma_semaphore, #tpu.memory_space<semaphore_mem>> -> memref<1x!tpu.dma_semaphore, #tpu.memory_space<semaphore_mem>>
    %dma_start3A_221 = tpu.memref_squeeze %dma_start3A_220 : memref<1x!tpu.dma_semaphore, #tpu.memory_space<semaphore_mem>> -> memref<!tpu.dma_semaphore, #tpu.memory_space<semaphore_mem>>
    tpu.enqueue_indirect_dma source(%dma_start3A_219 : memref<1000000x128xf32, #tpu.memory_space<hbm>>) target(%dma_start3A_213 : memref<128x128xf32, #tpu.memory_space<vmem>>) offsets(%dma_start3A_216 : memref<128xi32, #tpu.memory_space<vmem>>) semaphore(%dma_start3A_221 : memref<!tpu.dma_semaphore, #tpu.memory_space<semaphore_mem>>)
    %dma_wait3A_222 = arith.constant 0 : i32
    %dma_wait3A_223 = arith.constant 3 : i32
    %dma_wait3A_224 = arith.constant 3 : i32
    %dma_wait3A_225 = arith.constant 0 : i32
    %dma_wait3A_226 = arith.constant 0 : i32
    %dma_wait3A_227 = tpu.memref_slice %arg6[%dma_wait3A_223, %dma_wait3A_225, %dma_wait3A_226] : memref<4x128x128xf32, #tpu.memory_space<vmem>> -> memref<1x128x128xf32, #tpu.memory_space<vmem>>
    %dma_wait3A_228 = tpu.memref_squeeze %dma_wait3A_227 : memref<1x128x128xf32, #tpu.memory_space<vmem>> -> memref<128x128xf32, #tpu.memory_space<vmem>>
    %dma_wait3A_229 = arith.constant 0 : i32
    %dma_wait3A_230 = tpu.memref_slice %arg5[%dma_wait3A_222, %dma_wait3A_229] : memref<200x128xi32, #tpu.memory_space<vmem>> -> memref<1x128xi32, #tpu.memory_space<vmem>>
    %dma_wait3A_231 = tpu.memref_squeeze %dma_wait3A_230 : memref<1x128xi32, #tpu.memory_space<vmem>> -> memref<128xi32, #tpu.memory_space<vmem>>
    %dma_wait3A_232 = arith.constant 0 : i32
    %dma_wait3A_233 = arith.constant 0 : i32
    %dma_wait3A_234 = tpu.memref_slice %arg2[%dma_wait3A_232, %dma_wait3A_233] : memref<1000000x128xf32, #tpu.memory_space<hbm>> -> memref<1000000x128xf32, #tpu.memory_space<hbm>>
    %dma_wait3A_235 = tpu.memref_slice %arg7[%dma_wait3A_224] : memref<4x!tpu.dma_semaphore, #tpu.memory_space<semaphore_mem>> -> memref<1x!tpu.dma_semaphore, #tpu.memory_space<semaphore_mem>>
    %dma_wait3A_236 = tpu.memref_squeeze %dma_wait3A_235 : memref<1x!tpu.dma_semaphore, #tpu.memory_space<semaphore_mem>> -> memref<!tpu.dma_semaphore, #tpu.memory_space<semaphore_mem>>
    tpu.wait_indirect_dma semaphore(%dma_wait3A_236 : memref<!tpu.dma_semaphore, #tpu.memory_space<semaphore_mem>>) src(%dma_wait3A_234 : memref<1000000x128xf32, #tpu.memory_space<hbm>>) dst(%dma_wait3A_228 : memref<128x128xf32, #tpu.memory_space<vmem>>)
    %add3A_237 = arith.constant 384 : i32
    %add3A_238 = arith.addi %mul3A_2, %add3A_237 : i32
    %dma_start3A_239 = arith.constant 3 : i32
    %dma_start3A_240 = arith.constant 3 : i32
    %dma_start3A_241 = arith.constant 0 : i32
    %dma_start3A_242 = arith.constant 0 : i32
    %dma_start3A_243 = tpu.memref_slice %arg6[%dma_start3A_239, %dma_start3A_241, %dma_start3A_242] : memref<4x128x128xf32, #tpu.memory_space<vmem>> -> memref<1x128x128xf32, #tpu.memory_space<vmem>>
    %dma_start3A_244 = tpu.memref_squeeze %dma_start3A_243 : memref<1x128x128xf32, #tpu.memory_space<vmem>> -> memref<128x128xf32, #tpu.memory_space<vmem>>
    %dma_start3A_245 = arith.constant 0 : i32
    %dma_start3A_246 = tpu.memref_slice %arg4[%add3A_238, %dma_start3A_245] : memref<819200x128xf32, #tpu.memory_space<hbm>> -> memref<128x128xf32, #tpu.memory_space<hbm>>
    %dma_start3A_247 = tpu.memref_slice %arg8[%dma_start3A_240] : memref<4x!tpu.dma_semaphore, #tpu.memory_space<semaphore_mem>> -> memref<1x!tpu.dma_semaphore, #tpu.memory_space<semaphore_mem>>
    %dma_start3A_248 = tpu.memref_squeeze %dma_start3A_247 : memref<1x!tpu.dma_semaphore, #tpu.memory_space<semaphore_mem>> -> memref<!tpu.dma_semaphore, #tpu.memory_space<semaphore_mem>>
    %dma_start3A_249 = arith.constant 0 : i32
    %dma_start3A_250 = tpu.memref_slice %arg4[%add3A_238, %dma_start3A_249] : memref<819200x128xf32, #tpu.memory_space<hbm>> -> memref<128x128xf32, #tpu.memory_space<hbm>>
    %dma_start3A_251 = arith.constant 0 : i32
    %dma_start3A_252 = arith.constant 0 : i32
    %dma_start3A_253 = tpu.memref_slice %arg6[%dma_start3A_239, %dma_start3A_251, %dma_start3A_252] : memref<4x128x128xf32, #tpu.memory_space<vmem>> -> memref<1x128x128xf32, #tpu.memory_space<vmem>>
    %dma_start3A_254 = tpu.memref_squeeze %dma_start3A_253 : memref<1x128x128xf32, #tpu.memory_space<vmem>> -> memref<128x128xf32, #tpu.memory_space<vmem>>
    tpu.enqueue_dma source(%dma_start3A_254 : memref<128x128xf32, #tpu.memory_space<vmem>>) target(%dma_start3A_250 : memref<128x128xf32, #tpu.memory_space<hbm>>) target_semaphore(%dma_start3A_248 : memref<!tpu.dma_semaphore, #tpu.memory_space<semaphore_mem>>)
    %dma_wait3A_255 = arith.constant 2 : i32
    %dma_wait3A_256 = arith.constant 2 : i32
    %dma_wait3A_257 = arith.constant 0 : i32
    %dma_wait3A_258 = arith.constant 0 : i32
    %dma_wait3A_259 = tpu.memref_slice %arg6[%dma_wait3A_255, %dma_wait3A_257, %dma_wait3A_258] : memref<4x128x128xf32, #tpu.memory_space<vmem>> -> memref<1x128x128xf32, #tpu.memory_space<vmem>>
    %dma_wait3A_260 = tpu.memref_squeeze %dma_wait3A_259 : memref<1x128x128xf32, #tpu.memory_space<vmem>> -> memref<128x128xf32, #tpu.memory_space<vmem>>
    %dma_wait3A_261 = arith.constant 0 : i32
    %dma_wait3A_262 = tpu.memref_slice %arg4[%mul3A_2, %dma_wait3A_261] : memref<819200x128xf32, #tpu.memory_space<hbm>> -> memref<128x128xf32, #tpu.memory_space<hbm>>
    %dma_wait3A_263 = tpu.memref_slice %arg8[%dma_wait3A_256] : memref<4x!tpu.dma_semaphore, #tpu.memory_space<semaphore_mem>> -> memref<1x!tpu.dma_semaphore, #tpu.memory_space<semaphore_mem>>
    %dma_wait3A_264 = tpu.memref_squeeze %dma_wait3A_263 : memref<1x!tpu.dma_semaphore, #tpu.memory_space<semaphore_mem>> -> memref<!tpu.dma_semaphore, #tpu.memory_space<semaphore_mem>>
    %dma_wait3A_265 = arith.constant 0 : i32
    %dma_wait3A_266 = tpu.memref_slice %arg4[%mul3A_2, %dma_wait3A_265] : memref<819200x128xf32, #tpu.memory_space<hbm>> -> memref<128x128xf32, #tpu.memory_space<hbm>>
    %dma_wait3A_267 = arith.constant 0 : i32
    %dma_wait3A_268 = arith.constant 0 : i32
    %dma_wait3A_269 = tpu.memref_slice %arg6[%dma_wait3A_255, %dma_wait3A_267, %dma_wait3A_268] : memref<4x128x128xf32, #tpu.memory_space<vmem>> -> memref<1x128x128xf32, #tpu.memory_space<vmem>>
    %dma_wait3A_270 = tpu.memref_squeeze %dma_wait3A_269 : memref<1x128x128xf32, #tpu.memory_space<vmem>> -> memref<128x128xf32, #tpu.memory_space<vmem>>
    tpu.wait_dma2 semaphore(%dma_wait3A_264 : memref<!tpu.dma_semaphore, #tpu.memory_space<semaphore_mem>>) src(%dma_wait3A_270 : memref<128x128xf32, #tpu.memory_space<vmem>>) dst(%dma_wait3A_266 : memref<128x128xf32, #tpu.memory_space<hbm>>)
    %dma_start3A_271 = arith.constant 6 : i32
    %dma_start3A_272 = arith.constant 2 : i32
    %dma_start3A_273 = arith.constant 2 : i32
    %dma_start3A_274 = arith.constant 0 : i32
    %dma_start3A_275 = arith.constant 0 : i32
    %dma_start3A_276 = tpu.memref_slice %arg6[%dma_start3A_272, %dma_start3A_274, %dma_start3A_275] : memref<4x128x128xf32, #tpu.memory_space<vmem>> -> memref<1x128x128xf32, #tpu.memory_space<vmem>>
    %dma_start3A_277 = tpu.memref_squeeze %dma_start3A_276 : memref<1x128x128xf32, #tpu.memory_space<vmem>> -> memref<128x128xf32, #tpu.memory_space<vmem>>
    %dma_start3A_278 = arith.constant 0 : i32
    %dma_start3A_279 = tpu.memref_slice %arg5[%dma_start3A_271, %dma_start3A_278] : memref<200x128xi32, #tpu.memory_space<vmem>> -> memref<1x128xi32, #tpu.memory_space<vmem>>
    %dma_start3A_280 = tpu.memref_squeeze %dma_start3A_279 : memref<1x128xi32, #tpu.memory_space<vmem>> -> memref<128xi32, #tpu.memory_space<vmem>>
    %dma_start3A_281 = arith.constant 0 : i32
    %dma_start3A_282 = arith.constant 0 : i32
    %dma_start3A_283 = tpu.memref_slice %arg2[%dma_start3A_281, %dma_start3A_282] : memref<1000000x128xf32, #tpu.memory_space<hbm>> -> memref<1000000x128xf32, #tpu.memory_space<hbm>>
    %dma_start3A_284 = tpu.memref_slice %arg7[%dma_start3A_273] : memref<4x!tpu.dma_semaphore, #tpu.memory_space<semaphore_mem>> -> memref<1x!tpu.dma_semaphore, #tpu.memory_space<semaphore_mem>>
    %dma_start3A_285 = tpu.memref_squeeze %dma_start3A_284 : memref<1x!tpu.dma_semaphore, #tpu.memory_space<semaphore_mem>> -> memref<!tpu.dma_semaphore, #tpu.memory_space<semaphore_mem>>
    tpu.enqueue_indirect_dma source(%dma_start3A_283 : memref<1000000x128xf32, #tpu.memory_space<hbm>>) target(%dma_start3A_277 : memref<128x128xf32, #tpu.memory_space<vmem>>) offsets(%dma_start3A_280 : memref<128xi32, #tpu.memory_space<vmem>>) semaphore(%dma_start3A_285 : memref<!tpu.dma_semaphore, #tpu.memory_space<semaphore_mem>>)
    %scan3A = arith.constant 0 : i32
    %scan3A_286 = arith.constant 1 : i32
    %scan3A_287 = arith.constant 48 : i32
    %scan3A_288 = arith.addi %scan3A_286, %scan3A_287 : i32
    %scan3A_289 = arith.constant 1 : i32
    scf.for %scan3A_518 = %scan3A_286 to %scan3A_288 step %scan3A_289  : i32 {
      %mul3A_519 = arith.constant 4 : i32
      %mul3A_520 = arith.muli %scan3A_518, %mul3A_519 : i32
      %add3A_521 = arith.constant 0 : i32
      %add3A_522 = arith.addi %mul3A_520, %add3A_521 : i32
      %dma_wait3A_523 = arith.constant 0 : i32
      %dma_wait3A_524 = arith.constant 0 : i32
      %dma_wait3A_525 = arith.constant 0 : i32
      %dma_wait3A_526 = arith.constant 0 : i32
      %dma_wait3A_527 = arith.constant 0 : i32
      %dma_wait3A_528 = tpu.memref_slice %arg6[%dma_wait3A_524, %dma_wait3A_526, %dma_wait3A_527] : memref<4x128x128xf32, #tpu.memory_space<vmem>> -> memref<1x128x128xf32, #tpu.memory_space<vmem>>
      %dma_wait3A_529 = tpu.memref_squeeze %dma_wait3A_528 : memref<1x128x128xf32, #tpu.memory_space<vmem>> -> memref<128x128xf32, #tpu.memory_space<vmem>>
      %dma_wait3A_530 = arith.constant 0 : i32
      %dma_wait3A_531 = tpu.memref_slice %arg5[%dma_wait3A_523, %dma_wait3A_530] : memref<200x128xi32, #tpu.memory_space<vmem>> -> memref<1x128xi32, #tpu.memory_space<vmem>>
      %dma_wait3A_532 = tpu.memref_squeeze %dma_wait3A_531 : memref<1x128xi32, #tpu.memory_space<vmem>> -> memref<128xi32, #tpu.memory_space<vmem>>
      %dma_wait3A_533 = arith.constant 0 : i32
      %dma_wait3A_534 = arith.constant 0 : i32
      %dma_wait3A_535 = tpu.memref_slice %arg2[%dma_wait3A_533, %dma_wait3A_534] : memref<1000000x128xf32, #tpu.memory_space<hbm>> -> memref<1000000x128xf32, #tpu.memory_space<hbm>>
      %dma_wait3A_536 = tpu.memref_slice %arg7[%dma_wait3A_525] : memref<4x!tpu.dma_semaphore, #tpu.memory_space<semaphore_mem>> -> memref<1x!tpu.dma_semaphore, #tpu.memory_space<semaphore_mem>>
      %dma_wait3A_537 = tpu.memref_squeeze %dma_wait3A_536 : memref<1x!tpu.dma_semaphore, #tpu.memory_space<semaphore_mem>> -> memref<!tpu.dma_semaphore, #tpu.memory_space<semaphore_mem>>
      tpu.wait_indirect_dma semaphore(%dma_wait3A_537 : memref<!tpu.dma_semaphore, #tpu.memory_space<semaphore_mem>>) src(%dma_wait3A_535 : memref<1000000x128xf32, #tpu.memory_space<hbm>>) dst(%dma_wait3A_529 : memref<128x128xf32, #tpu.memory_space<vmem>>)
      %mul3A_538 = arith.constant 128 : i32
      %mul3A_539 = arith.muli %add3A_522, %mul3A_538 : i32
      %add3A_540 = arith.addi %mul3A_2, %mul3A_539 : i32
      %dma_start3A_541 = arith.constant 0 : i32
      %dma_start3A_542 = arith.constant 0 : i32
      %dma_start3A_543 = arith.constant 0 : i32
      %dma_start3A_544 = arith.constant 0 : i32
      %dma_start3A_545 = tpu.memref_slice %arg6[%dma_start3A_541, %dma_start3A_543, %dma_start3A_544] : memref<4x128x128xf32, #tpu.memory_space<vmem>> -> memref<1x128x128xf32, #tpu.memory_space<vmem>>
      %dma_start3A_546 = tpu.memref_squeeze %dma_start3A_545 : memref<1x128x128xf32, #tpu.memory_space<vmem>> -> memref<128x128xf32, #tpu.memory_space<vmem>>
      %dma_start3A_547 = arith.constant 0 : i32
      %dma_start3A_548 = tpu.memref_slice %arg4[%add3A_540, %dma_start3A_547] : memref<819200x128xf32, #tpu.memory_space<hbm>> -> memref<128x128xf32, #tpu.memory_space<hbm>>
      %dma_start3A_549 = tpu.memref_slice %arg8[%dma_start3A_542] : memref<4x!tpu.dma_semaphore, #tpu.memory_space<semaphore_mem>> -> memref<1x!tpu.dma_semaphore, #tpu.memory_space<semaphore_mem>>
      %dma_start3A_550 = tpu.memref_squeeze %dma_start3A_549 : memref<1x!tpu.dma_semaphore, #tpu.memory_space<semaphore_mem>> -> memref<!tpu.dma_semaphore, #tpu.memory_space<semaphore_mem>>
      %dma_start3A_551 = arith.constant 0 : i32
      %dma_start3A_552 = tpu.memref_slice %arg4[%add3A_540, %dma_start3A_551] : memref<819200x128xf32, #tpu.memory_space<hbm>> -> memref<128x128xf32, #tpu.memory_space<hbm>>
      %dma_start3A_553 = arith.constant 0 : i32
      %dma_start3A_554 = arith.constant 0 : i32
      %dma_start3A_555 = tpu.memref_slice %arg6[%dma_start3A_541, %dma_start3A_553, %dma_start3A_554] : memref<4x128x128xf32, #tpu.memory_space<vmem>> -> memref<1x128x128xf32, #tpu.memory_space<vmem>>
      %dma_start3A_556 = tpu.memref_squeeze %dma_start3A_555 : memref<1x128x128xf32, #tpu.memory_space<vmem>> -> memref<128x128xf32, #tpu.memory_space<vmem>>
      tpu.enqueue_dma source(%dma_start3A_556 : memref<128x128xf32, #tpu.memory_space<vmem>>) target(%dma_start3A_552 : memref<128x128xf32, #tpu.memory_space<hbm>>) target_semaphore(%dma_start3A_550 : memref<!tpu.dma_semaphore, #tpu.memory_space<semaphore_mem>>)
      %dma_wait3A_557 = arith.constant 3 : i32
      %dma_wait3A_558 = arith.constant 3 : i32
      %dma_wait3A_559 = arith.constant 0 : i32
      %dma_wait3A_560 = arith.constant 0 : i32
      %dma_wait3A_561 = tpu.memref_slice %arg6[%dma_wait3A_557, %dma_wait3A_559, %dma_wait3A_560] : memref<4x128x128xf32, #tpu.memory_space<vmem>> -> memref<1x128x128xf32, #tpu.memory_space<vmem>>
      %dma_wait3A_562 = tpu.memref_squeeze %dma_wait3A_561 : memref<1x128x128xf32, #tpu.memory_space<vmem>> -> memref<128x128xf32, #tpu.memory_space<vmem>>
      %dma_wait3A_563 = arith.constant 0 : i32
      %dma_wait3A_564 = tpu.memref_slice %arg4[%mul3A_2, %dma_wait3A_563] : memref<819200x128xf32, #tpu.memory_space<hbm>> -> memref<128x128xf32, #tpu.memory_space<hbm>>
      %dma_wait3A_565 = tpu.memref_slice %arg8[%dma_wait3A_558] : memref<4x!tpu.dma_semaphore, #tpu.memory_space<semaphore_mem>> -> memref<1x!tpu.dma_semaphore, #tpu.memory_space<semaphore_mem>>
      %dma_wait3A_566 = tpu.memref_squeeze %dma_wait3A_565 : memref<1x!tpu.dma_semaphore, #tpu.memory_space<semaphore_mem>> -> memref<!tpu.dma_semaphore, #tpu.memory_space<semaphore_mem>>
      %dma_wait3A_567 = arith.constant 0 : i32
      %dma_wait3A_568 = tpu.memref_slice %arg4[%mul3A_2, %dma_wait3A_567] : memref<819200x128xf32, #tpu.memory_space<hbm>> -> memref<128x128xf32, #tpu.memory_space<hbm>>
      %dma_wait3A_569 = arith.constant 0 : i32
      %dma_wait3A_570 = arith.constant 0 : i32
      %dma_wait3A_571 = tpu.memref_slice %arg6[%dma_wait3A_557, %dma_wait3A_569, %dma_wait3A_570] : memref<4x128x128xf32, #tpu.memory_space<vmem>> -> memref<1x128x128xf32, #tpu.memory_space<vmem>>
      %dma_wait3A_572 = tpu.memref_squeeze %dma_wait3A_571 : memref<1x128x128xf32, #tpu.memory_space<vmem>> -> memref<128x128xf32, #tpu.memory_space<vmem>>
      tpu.wait_dma2 semaphore(%dma_wait3A_566 : memref<!tpu.dma_semaphore, #tpu.memory_space<semaphore_mem>>) src(%dma_wait3A_572 : memref<128x128xf32, #tpu.memory_space<vmem>>) dst(%dma_wait3A_568 : memref<128x128xf32, #tpu.memory_space<hbm>>)
      %add3A_573 = arith.constant 4 : i32
      %add3A_574 = arith.addi %add3A_522, %add3A_573 : i32
      %sub3A = arith.constant 1 : i32
      %sub3A_575 = arith.subi %add3A_574, %sub3A : i32
      %dma_start3A_576 = arith.constant 3 : i32
      %dma_start3A_577 = arith.constant 3 : i32
      %dma_start3A_578 = arith.constant 0 : i32
      %dma_start3A_579 = arith.constant 0 : i32
      %dma_start3A_580 = tpu.memref_slice %arg6[%dma_start3A_576, %dma_start3A_578, %dma_start3A_579] : memref<4x128x128xf32, #tpu.memory_space<vmem>> -> memref<1x128x128xf32, #tpu.memory_space<vmem>>
      %dma_start3A_581 = tpu.memref_squeeze %dma_start3A_580 : memref<1x128x128xf32, #tpu.memory_space<vmem>> -> memref<128x128xf32, #tpu.memory_space<vmem>>
      %dma_start3A_582 = arith.constant 0 : i32
      %dma_start3A_583 = tpu.memref_slice %arg5[%sub3A_575, %dma_start3A_582] : memref<200x128xi32, #tpu.memory_space<vmem>> -> memref<1x128xi32, #tpu.memory_space<vmem>>
      %dma_start3A_584 = tpu.memref_squeeze %dma_start3A_583 : memref<1x128xi32, #tpu.memory_space<vmem>> -> memref<128xi32, #tpu.memory_space<vmem>>
      %dma_start3A_585 = arith.constant 0 : i32
      %dma_start3A_586 = arith.constant 0 : i32
      %dma_start3A_587 = tpu.memref_slice %arg2[%dma_start3A_585, %dma_start3A_586] : memref<1000000x128xf32, #tpu.memory_space<hbm>> -> memref<1000000x128xf32, #tpu.memory_space<hbm>>
      %dma_start3A_588 = tpu.memref_slice %arg7[%dma_start3A_577] : memref<4x!tpu.dma_semaphore, #tpu.memory_space<semaphore_mem>> -> memref<1x!tpu.dma_semaphore, #tpu.memory_space<semaphore_mem>>
      %dma_start3A_589 = tpu.memref_squeeze %dma_start3A_588 : memref<1x!tpu.dma_semaphore, #tpu.memory_space<semaphore_mem>> -> memref<!tpu.dma_semaphore, #tpu.memory_space<semaphore_mem>>
      tpu.enqueue_indirect_dma source(%dma_start3A_587 : memref<1000000x128xf32, #tpu.memory_space<hbm>>) target(%dma_start3A_581 : memref<128x128xf32, #tpu.memory_space<vmem>>) offsets(%dma_start3A_584 : memref<128xi32, #tpu.memory_space<vmem>>) semaphore(%dma_start3A_589 : memref<!tpu.dma_semaphore, #tpu.memory_space<semaphore_mem>>)
      %add3A_590 = arith.constant 1 : i32
      %add3A_591 = arith.addi %mul3A_520, %add3A_590 : i32
      %dma_wait3A_592 = arith.constant 0 : i32
      %dma_wait3A_593 = arith.constant 1 : i32
      %dma_wait3A_594 = arith.constant 1 : i32
      %dma_wait3A_595 = arith.constant 0 : i32
      %dma_wait3A_596 = arith.constant 0 : i32
      %dma_wait3A_597 = tpu.memref_slice %arg6[%dma_wait3A_593, %dma_wait3A_595, %dma_wait3A_596] : memref<4x128x128xf32, #tpu.memory_space<vmem>> -> memref<1x128x128xf32, #tpu.memory_space<vmem>>
      %dma_wait3A_598 = tpu.memref_squeeze %dma_wait3A_597 : memref<1x128x128xf32, #tpu.memory_space<vmem>> -> memref<128x128xf32, #tpu.memory_space<vmem>>
      %dma_wait3A_599 = arith.constant 0 : i32
      %dma_wait3A_600 = tpu.memref_slice %arg5[%dma_wait3A_592, %dma_wait3A_599] : memref<200x128xi32, #tpu.memory_space<vmem>> -> memref<1x128xi32, #tpu.memory_space<vmem>>
      %dma_wait3A_601 = tpu.memref_squeeze %dma_wait3A_600 : memref<1x128xi32, #tpu.memory_space<vmem>> -> memref<128xi32, #tpu.memory_space<vmem>>
      %dma_wait3A_602 = arith.constant 0 : i32
      %dma_wait3A_603 = arith.constant 0 : i32
      %dma_wait3A_604 = tpu.memref_slice %arg2[%dma_wait3A_602, %dma_wait3A_603] : memref<1000000x128xf32, #tpu.memory_space<hbm>> -> memref<1000000x128xf32, #tpu.memory_space<hbm>>
      %dma_wait3A_605 = tpu.memref_slice %arg7[%dma_wait3A_594] : memref<4x!tpu.dma_semaphore, #tpu.memory_space<semaphore_mem>> -> memref<1x!tpu.dma_semaphore, #tpu.memory_space<semaphore_mem>>
      %dma_wait3A_606 = tpu.memref_squeeze %dma_wait3A_605 : memref<1x!tpu.dma_semaphore, #tpu.memory_space<semaphore_mem>> -> memref<!tpu.dma_semaphore, #tpu.memory_space<semaphore_mem>>
      tpu.wait_indirect_dma semaphore(%dma_wait3A_606 : memref<!tpu.dma_semaphore, #tpu.memory_space<semaphore_mem>>) src(%dma_wait3A_604 : memref<1000000x128xf32, #tpu.memory_space<hbm>>) dst(%dma_wait3A_598 : memref<128x128xf32, #tpu.memory_space<vmem>>)
      %mul3A_607 = arith.constant 128 : i32
      %mul3A_608 = arith.muli %add3A_591, %mul3A_607 : i32
      %add3A_609 = arith.addi %mul3A_2, %mul3A_608 : i32
      %dma_start3A_610 = arith.constant 1 : i32
      %dma_start3A_611 = arith.constant 1 : i32
      %dma_start3A_612 = arith.constant 0 : i32
      %dma_start3A_613 = arith.constant 0 : i32
      %dma_start3A_614 = tpu.memref_slice %arg6[%dma_start3A_610, %dma_start3A_612, %dma_start3A_613] : memref<4x128x128xf32, #tpu.memory_space<vmem>> -> memref<1x128x128xf32, #tpu.memory_space<vmem>>
      %dma_start3A_615 = tpu.memref_squeeze %dma_start3A_614 : memref<1x128x128xf32, #tpu.memory_space<vmem>> -> memref<128x128xf32, #tpu.memory_space<vmem>>
      %dma_start3A_616 = arith.constant 0 : i32
      %dma_start3A_617 = tpu.memref_slice %arg4[%add3A_609, %dma_start3A_616] : memref<819200x128xf32, #tpu.memory_space<hbm>> -> memref<128x128xf32, #tpu.memory_space<hbm>>
      %dma_start3A_618 = tpu.memref_slice %arg8[%dma_start3A_611] : memref<4x!tpu.dma_semaphore, #tpu.memory_space<semaphore_mem>> -> memref<1x!tpu.dma_semaphore, #tpu.memory_space<semaphore_mem>>
      %dma_start3A_619 = tpu.memref_squeeze %dma_start3A_618 : memref<1x!tpu.dma_semaphore, #tpu.memory_space<semaphore_mem>> -> memref<!tpu.dma_semaphore, #tpu.memory_space<semaphore_mem>>
      %dma_start3A_620 = arith.constant 0 : i32
      %dma_start3A_621 = tpu.memref_slice %arg4[%add3A_609, %dma_start3A_620] : memref<819200x128xf32, #tpu.memory_space<hbm>> -> memref<128x128xf32, #tpu.memory_space<hbm>>
      %dma_start3A_622 = arith.constant 0 : i32
      %dma_start3A_623 = arith.constant 0 : i32
      %dma_start3A_624 = tpu.memref_slice %arg6[%dma_start3A_610, %dma_start3A_622, %dma_start3A_623] : memref<4x128x128xf32, #tpu.memory_space<vmem>> -> memref<1x128x128xf32, #tpu.memory_space<vmem>>
      %dma_start3A_625 = tpu.memref_squeeze %dma_start3A_624 : memref<1x128x128xf32, #tpu.memory_space<vmem>> -> memref<128x128xf32, #tpu.memory_space<vmem>>
      tpu.enqueue_dma source(%dma_start3A_625 : memref<128x128xf32, #tpu.memory_space<vmem>>) target(%dma_start3A_621 : memref<128x128xf32, #tpu.memory_space<hbm>>) target_semaphore(%dma_start3A_619 : memref<!tpu.dma_semaphore, #tpu.memory_space<semaphore_mem>>)
      %dma_wait3A_626 = arith.constant 0 : i32
      %dma_wait3A_627 = arith.constant 0 : i32
      %dma_wait3A_628 = arith.constant 0 : i32
      %dma_wait3A_629 = arith.constant 0 : i32
      %dma_wait3A_630 = tpu.memref_slice %arg6[%dma_wait3A_626, %dma_wait3A_628, %dma_wait3A_629] : memref<4x128x128xf32, #tpu.memory_space<vmem>> -> memref<1x128x128xf32, #tpu.memory_space<vmem>>
      %dma_wait3A_631 = tpu.memref_squeeze %dma_wait3A_630 : memref<1x128x128xf32, #tpu.memory_space<vmem>> -> memref<128x128xf32, #tpu.memory_space<vmem>>
      %dma_wait3A_632 = arith.constant 0 : i32
      %dma_wait3A_633 = tpu.memref_slice %arg4[%mul3A_2, %dma_wait3A_632] : memref<819200x128xf32, #tpu.memory_space<hbm>> -> memref<128x128xf32, #tpu.memory_space<hbm>>
      %dma_wait3A_634 = tpu.memref_slice %arg8[%dma_wait3A_627] : memref<4x!tpu.dma_semaphore, #tpu.memory_space<semaphore_mem>> -> memref<1x!tpu.dma_semaphore, #tpu.memory_space<semaphore_mem>>
      %dma_wait3A_635 = tpu.memref_squeeze %dma_wait3A_634 : memref<1x!tpu.dma_semaphore, #tpu.memory_space<semaphore_mem>> -> memref<!tpu.dma_semaphore, #tpu.memory_space<semaphore_mem>>
      %dma_wait3A_636 = arith.constant 0 : i32
      %dma_wait3A_637 = tpu.memref_slice %arg4[%mul3A_2, %dma_wait3A_636] : memref<819200x128xf32, #tpu.memory_space<hbm>> -> memref<128x128xf32, #tpu.memory_space<hbm>>
      %dma_wait3A_638 = arith.constant 0 : i32
      %dma_wait3A_639 = arith.constant 0 : i32
      %dma_wait3A_640 = tpu.memref_slice %arg6[%dma_wait3A_626, %dma_wait3A_638, %dma_wait3A_639] : memref<4x128x128xf32, #tpu.memory_space<vmem>> -> memref<1x128x128xf32, #tpu.memory_space<vmem>>
      %dma_wait3A_641 = tpu.memref_squeeze %dma_wait3A_640 : memref<1x128x128xf32, #tpu.memory_space<vmem>> -> memref<128x128xf32, #tpu.memory_space<vmem>>
      tpu.wait_dma2 semaphore(%dma_wait3A_635 : memref<!tpu.dma_semaphore, #tpu.memory_space<semaphore_mem>>) src(%dma_wait3A_641 : memref<128x128xf32, #tpu.memory_space<vmem>>) dst(%dma_wait3A_637 : memref<128x128xf32, #tpu.memory_space<hbm>>)
      %add3A_642 = arith.constant 4 : i32
      %add3A_643 = arith.addi %add3A_591, %add3A_642 : i32
      %sub3A_644 = arith.constant 1 : i32
      %sub3A_645 = arith.subi %add3A_643, %sub3A_644 : i32
      %dma_start3A_646 = arith.constant 0 : i32
      %dma_start3A_647 = arith.constant 0 : i32
      %dma_start3A_648 = arith.constant 0 : i32
      %dma_start3A_649 = arith.constant 0 : i32
      %dma_start3A_650 = tpu.memref_slice %arg6[%dma_start3A_646, %dma_start3A_648, %dma_start3A_649] : memref<4x128x128xf32, #tpu.memory_space<vmem>> -> memref<1x128x128xf32, #tpu.memory_space<vmem>>
      %dma_start3A_651 = tpu.memref_squeeze %dma_start3A_650 : memref<1x128x128xf32, #tpu.memory_space<vmem>> -> memref<128x128xf32, #tpu.memory_space<vmem>>
      %dma_start3A_652 = arith.constant 0 : i32
      %dma_start3A_653 = tpu.memref_slice %arg5[%sub3A_645, %dma_start3A_652] : memref<200x128xi32, #tpu.memory_space<vmem>> -> memref<1x128xi32, #tpu.memory_space<vmem>>
      %dma_start3A_654 = tpu.memref_squeeze %dma_start3A_653 : memref<1x128xi32, #tpu.memory_space<vmem>> -> memref<128xi32, #tpu.memory_space<vmem>>
      %dma_start3A_655 = arith.constant 0 : i32
      %dma_start3A_656 = arith.constant 0 : i32
      %dma_start3A_657 = tpu.memref_slice %arg2[%dma_start3A_655, %dma_start3A_656] : memref<1000000x128xf32, #tpu.memory_space<hbm>> -> memref<1000000x128xf32, #tpu.memory_space<hbm>>
      %dma_start3A_658 = tpu.memref_slice %arg7[%dma_start3A_647] : memref<4x!tpu.dma_semaphore, #tpu.memory_space<semaphore_mem>> -> memref<1x!tpu.dma_semaphore, #tpu.memory_space<semaphore_mem>>
      %dma_start3A_659 = tpu.memref_squeeze %dma_start3A_658 : memref<1x!tpu.dma_semaphore, #tpu.memory_space<semaphore_mem>> -> memref<!tpu.dma_semaphore, #tpu.memory_space<semaphore_mem>>
      tpu.enqueue_indirect_dma source(%dma_start3A_657 : memref<1000000x128xf32, #tpu.memory_space<hbm>>) target(%dma_start3A_651 : memref<128x128xf32, #tpu.memory_space<vmem>>) offsets(%dma_start3A_654 : memref<128xi32, #tpu.memory_space<vmem>>) semaphore(%dma_start3A_659 : memref<!tpu.dma_semaphore, #tpu.memory_space<semaphore_mem>>)
      %add3A_660 = arith.constant 2 : i32
      %add3A_661 = arith.addi %mul3A_520, %add3A_660 : i32
      %dma_wait3A_662 = arith.constant 0 : i32
      %dma_wait3A_663 = arith.constant 2 : i32
      %dma_wait3A_664 = arith.constant 2 : i32
      %dma_wait3A_665 = arith.constant 0 : i32
      %dma_wait3A_666 = arith.constant 0 : i32
      %dma_wait3A_667 = tpu.memref_slice %arg6[%dma_wait3A_663, %dma_wait3A_665, %dma_wait3A_666] : memref<4x128x128xf32, #tpu.memory_space<vmem>> -> memref<1x128x128xf32, #tpu.memory_space<vmem>>
      %dma_wait3A_668 = tpu.memref_squeeze %dma_wait3A_667 : memref<1x128x128xf32, #tpu.memory_space<vmem>> -> memref<128x128xf32, #tpu.memory_space<vmem>>
      %dma_wait3A_669 = arith.constant 0 : i32
      %dma_wait3A_670 = tpu.memref_slice %arg5[%dma_wait3A_662, %dma_wait3A_669] : memref<200x128xi32, #tpu.memory_space<vmem>> -> memref<1x128xi32, #tpu.memory_space<vmem>>
      %dma_wait3A_671 = tpu.memref_squeeze %dma_wait3A_670 : memref<1x128xi32, #tpu.memory_space<vmem>> -> memref<128xi32, #tpu.memory_space<vmem>>
      %dma_wait3A_672 = arith.constant 0 : i32
      %dma_wait3A_673 = arith.constant 0 : i32
      %dma_wait3A_674 = tpu.memref_slice %arg2[%dma_wait3A_672, %dma_wait3A_673] : memref<1000000x128xf32, #tpu.memory_space<hbm>> -> memref<1000000x128xf32, #tpu.memory_space<hbm>>
      %dma_wait3A_675 = tpu.memref_slice %arg7[%dma_wait3A_664] : memref<4x!tpu.dma_semaphore, #tpu.memory_space<semaphore_mem>> -> memref<1x!tpu.dma_semaphore, #tpu.memory_space<semaphore_mem>>
      %dma_wait3A_676 = tpu.memref_squeeze %dma_wait3A_675 : memref<1x!tpu.dma_semaphore, #tpu.memory_space<semaphore_mem>> -> memref<!tpu.dma_semaphore, #tpu.memory_space<semaphore_mem>>
      tpu.wait_indirect_dma semaphore(%dma_wait3A_676 : memref<!tpu.dma_semaphore, #tpu.memory_space<semaphore_mem>>) src(%dma_wait3A_674 : memref<1000000x128xf32, #tpu.memory_space<hbm>>) dst(%dma_wait3A_668 : memref<128x128xf32, #tpu.memory_space<vmem>>)
      %mul3A_677 = arith.constant 128 : i32
      %mul3A_678 = arith.muli %add3A_661, %mul3A_677 : i32
      %add3A_679 = arith.addi %mul3A_2, %mul3A_678 : i32
      %dma_start3A_680 = arith.constant 2 : i32
      %dma_start3A_681 = arith.constant 2 : i32
      %dma_start3A_682 = arith.constant 0 : i32
      %dma_start3A_683 = arith.constant 0 : i32
      %dma_start3A_684 = tpu.memref_slice %arg6[%dma_start3A_680, %dma_start3A_682, %dma_start3A_683] : memref<4x128x128xf32, #tpu.memory_space<vmem>> -> memref<1x128x128xf32, #tpu.memory_space<vmem>>
      %dma_start3A_685 = tpu.memref_squeeze %dma_start3A_684 : memref<1x128x128xf32, #tpu.memory_space<vmem>> -> memref<128x128xf32, #tpu.memory_space<vmem>>
      %dma_start3A_686 = arith.constant 0 : i32
      %dma_start3A_687 = tpu.memref_slice %arg4[%add3A_679, %dma_start3A_686] : memref<819200x128xf32, #tpu.memory_space<hbm>> -> memref<128x128xf32, #tpu.memory_space<hbm>>
      %dma_start3A_688 = tpu.memref_slice %arg8[%dma_start3A_681] : memref<4x!tpu.dma_semaphore, #tpu.memory_space<semaphore_mem>> -> memref<1x!tpu.dma_semaphore, #tpu.memory_space<semaphore_mem>>
      %dma_start3A_689 = tpu.memref_squeeze %dma_start3A_688 : memref<1x!tpu.dma_semaphore, #tpu.memory_space<semaphore_mem>> -> memref<!tpu.dma_semaphore, #tpu.memory_space<semaphore_mem>>
      %dma_start3A_690 = arith.constant 0 : i32
      %dma_start3A_691 = tpu.memref_slice %arg4[%add3A_679, %dma_start3A_690] : memref<819200x128xf32, #tpu.memory_space<hbm>> -> memref<128x128xf32, #tpu.memory_space<hbm>>
      %dma_start3A_692 = arith.constant 0 : i32
      %dma_start3A_693 = arith.constant 0 : i32
      %dma_start3A_694 = tpu.memref_slice %arg6[%dma_start3A_680, %dma_start3A_692, %dma_start3A_693] : memref<4x128x128xf32, #tpu.memory_space<vmem>> -> memref<1x128x128xf32, #tpu.memory_space<vmem>>
      %dma_start3A_695 = tpu.memref_squeeze %dma_start3A_694 : memref<1x128x128xf32, #tpu.memory_space<vmem>> -> memref<128x128xf32, #tpu.memory_space<vmem>>
      tpu.enqueue_dma source(%dma_start3A_695 : memref<128x128xf32, #tpu.memory_space<vmem>>) target(%dma_start3A_691 : memref<128x128xf32, #tpu.memory_space<hbm>>) target_semaphore(%dma_start3A_689 : memref<!tpu.dma_semaphore, #tpu.memory_space<semaphore_mem>>)
      %dma_wait3A_696 = arith.constant 1 : i32
      %dma_wait3A_697 = arith.constant 1 : i32
      %dma_wait3A_698 = arith.constant 0 : i32
      %dma_wait3A_699 = arith.constant 0 : i32
      %dma_wait3A_700 = tpu.memref_slice %arg6[%dma_wait3A_696, %dma_wait3A_698, %dma_wait3A_699] : memref<4x128x128xf32, #tpu.memory_space<vmem>> -> memref<1x128x128xf32, #tpu.memory_space<vmem>>
      %dma_wait3A_701 = tpu.memref_squeeze %dma_wait3A_700 : memref<1x128x128xf32, #tpu.memory_space<vmem>> -> memref<128x128xf32, #tpu.memory_space<vmem>>
      %dma_wait3A_702 = arith.constant 0 : i32
      %dma_wait3A_703 = tpu.memref_slice %arg4[%mul3A_2, %dma_wait3A_702] : memref<819200x128xf32, #tpu.memory_space<hbm>> -> memref<128x128xf32, #tpu.memory_space<hbm>>
      %dma_wait3A_704 = tpu.memref_slice %arg8[%dma_wait3A_697] : memref<4x!tpu.dma_semaphore, #tpu.memory_space<semaphore_mem>> -> memref<1x!tpu.dma_semaphore, #tpu.memory_space<semaphore_mem>>
      %dma_wait3A_705 = tpu.memref_squeeze %dma_wait3A_704 : memref<1x!tpu.dma_semaphore, #tpu.memory_space<semaphore_mem>> -> memref<!tpu.dma_semaphore, #tpu.memory_space<semaphore_mem>>
      %dma_wait3A_706 = arith.constant 0 : i32
      %dma_wait3A_707 = tpu.memref_slice %arg4[%mul3A_2, %dma_wait3A_706] : memref<819200x128xf32, #tpu.memory_space<hbm>> -> memref<128x128xf32, #tpu.memory_space<hbm>>
      %dma_wait3A_708 = arith.constant 0 : i32
      %dma_wait3A_709 = arith.constant 0 : i32
      %dma_wait3A_710 = tpu.memref_slice %arg6[%dma_wait3A_696, %dma_wait3A_708, %dma_wait3A_709] : memref<4x128x128xf32, #tpu.memory_space<vmem>> -> memref<1x128x128xf32, #tpu.memory_space<vmem>>
      %dma_wait3A_711 = tpu.memref_squeeze %dma_wait3A_710 : memref<1x128x128xf32, #tpu.memory_space<vmem>> -> memref<128x128xf32, #tpu.memory_space<vmem>>
      tpu.wait_dma2 semaphore(%dma_wait3A_705 : memref<!tpu.dma_semaphore, #tpu.memory_space<semaphore_mem>>) src(%dma_wait3A_711 : memref<128x128xf32, #tpu.memory_space<vmem>>) dst(%dma_wait3A_707 : memref<128x128xf32, #tpu.memory_space<hbm>>)
      %add3A_712 = arith.constant 4 : i32
      %add3A_713 = arith.addi %add3A_661, %add3A_712 : i32
      %sub3A_714 = arith.constant 1 : i32
      %sub3A_715 = arith.subi %add3A_713, %sub3A_714 : i32
      %dma_start3A_716 = arith.constant 1 : i32
      %dma_start3A_717 = arith.constant 1 : i32
      %dma_start3A_718 = arith.constant 0 : i32
      %dma_start3A_719 = arith.constant 0 : i32
      %dma_start3A_720 = tpu.memref_slice %arg6[%dma_start3A_716, %dma_start3A_718, %dma_start3A_719] : memref<4x128x128xf32, #tpu.memory_space<vmem>> -> memref<1x128x128xf32, #tpu.memory_space<vmem>>
      %dma_start3A_721 = tpu.memref_squeeze %dma_start3A_720 : memref<1x128x128xf32, #tpu.memory_space<vmem>> -> memref<128x128xf32, #tpu.memory_space<vmem>>
      %dma_start3A_722 = arith.constant 0 : i32
      %dma_start3A_723 = tpu.memref_slice %arg5[%sub3A_715, %dma_start3A_722] : memref<200x128xi32, #tpu.memory_space<vmem>> -> memref<1x128xi32, #tpu.memory_space<vmem>>
      %dma_start3A_724 = tpu.memref_squeeze %dma_start3A_723 : memref<1x128xi32, #tpu.memory_space<vmem>> -> memref<128xi32, #tpu.memory_space<vmem>>
      %dma_start3A_725 = arith.constant 0 : i32
      %dma_start3A_726 = arith.constant 0 : i32
      %dma_start3A_727 = tpu.memref_slice %arg2[%dma_start3A_725, %dma_start3A_726] : memref<1000000x128xf32, #tpu.memory_space<hbm>> -> memref<1000000x128xf32, #tpu.memory_space<hbm>>
      %dma_start3A_728 = tpu.memref_slice %arg7[%dma_start3A_717] : memref<4x!tpu.dma_semaphore, #tpu.memory_space<semaphore_mem>> -> memref<1x!tpu.dma_semaphore, #tpu.memory_space<semaphore_mem>>
      %dma_start3A_729 = tpu.memref_squeeze %dma_start3A_728 : memref<1x!tpu.dma_semaphore, #tpu.memory_space<semaphore_mem>> -> memref<!tpu.dma_semaphore, #tpu.memory_space<semaphore_mem>>
      tpu.enqueue_indirect_dma source(%dma_start3A_727 : memref<1000000x128xf32, #tpu.memory_space<hbm>>) target(%dma_start3A_721 : memref<128x128xf32, #tpu.memory_space<vmem>>) offsets(%dma_start3A_724 : memref<128xi32, #tpu.memory_space<vmem>>) semaphore(%dma_start3A_729 : memref<!tpu.dma_semaphore, #tpu.memory_space<semaphore_mem>>)
      %add3A_730 = arith.constant 3 : i32
      %add3A_731 = arith.addi %mul3A_520, %add3A_730 : i32
      %dma_wait3A_732 = arith.constant 0 : i32
      %dma_wait3A_733 = arith.constant 3 : i32
      %dma_wait3A_734 = arith.constant 3 : i32
      %dma_wait3A_735 = arith.constant 0 : i32
      %dma_wait3A_736 = arith.constant 0 : i32
      %dma_wait3A_737 = tpu.memref_slice %arg6[%dma_wait3A_733, %dma_wait3A_735, %dma_wait3A_736] : memref<4x128x128xf32, #tpu.memory_space<vmem>> -> memref<1x128x128xf32, #tpu.memory_space<vmem>>
      %dma_wait3A_738 = tpu.memref_squeeze %dma_wait3A_737 : memref<1x128x128xf32, #tpu.memory_space<vmem>> -> memref<128x128xf32, #tpu.memory_space<vmem>>
      %dma_wait3A_739 = arith.constant 0 : i32
      %dma_wait3A_740 = tpu.memref_slice %arg5[%dma_wait3A_732, %dma_wait3A_739] : memref<200x128xi32, #tpu.memory_space<vmem>> -> memref<1x128xi32, #tpu.memory_space<vmem>>
      %dma_wait3A_741 = tpu.memref_squeeze %dma_wait3A_740 : memref<1x128xi32, #tpu.memory_space<vmem>> -> memref<128xi32, #tpu.memory_space<vmem>>
      %dma_wait3A_742 = arith.constant 0 : i32
      %dma_wait3A_743 = arith.constant 0 : i32
      %dma_wait3A_744 = tpu.memref_slice %arg2[%dma_wait3A_742, %dma_wait3A_743] : memref<1000000x128xf32, #tpu.memory_space<hbm>> -> memref<1000000x128xf32, #tpu.memory_space<hbm>>
      %dma_wait3A_745 = tpu.memref_slice %arg7[%dma_wait3A_734] : memref<4x!tpu.dma_semaphore, #tpu.memory_space<semaphore_mem>> -> memref<1x!tpu.dma_semaphore, #tpu.memory_space<semaphore_mem>>
      %dma_wait3A_746 = tpu.memref_squeeze %dma_wait3A_745 : memref<1x!tpu.dma_semaphore, #tpu.memory_space<semaphore_mem>> -> memref<!tpu.dma_semaphore, #tpu.memory_space<semaphore_mem>>
      tpu.wait_indirect_dma semaphore(%dma_wait3A_746 : memref<!tpu.dma_semaphore, #tpu.memory_space<semaphore_mem>>) src(%dma_wait3A_744 : memref<1000000x128xf32, #tpu.memory_space<hbm>>) dst(%dma_wait3A_738 : memref<128x128xf32, #tpu.memory_space<vmem>>)
      %mul3A_747 = arith.constant 128 : i32
      %mul3A_748 = arith.muli %add3A_731, %mul3A_747 : i32
      %add3A_749 = arith.addi %mul3A_2, %mul3A_748 : i32
      %dma_start3A_750 = arith.constant 3 : i32
      %dma_start3A_751 = arith.constant 3 : i32
      %dma_start3A_752 = arith.constant 0 : i32
      %dma_start3A_753 = arith.constant 0 : i32
      %dma_start3A_754 = tpu.memref_slice %arg6[%dma_start3A_750, %dma_start3A_752, %dma_start3A_753] : memref<4x128x128xf32, #tpu.memory_space<vmem>> -> memref<1x128x128xf32, #tpu.memory_space<vmem>>
      %dma_start3A_755 = tpu.memref_squeeze %dma_start3A_754 : memref<1x128x128xf32, #tpu.memory_space<vmem>> -> memref<128x128xf32, #tpu.memory_space<vmem>>
      %dma_start3A_756 = arith.constant 0 : i32
      %dma_start3A_757 = tpu.memref_slice %arg4[%add3A_749, %dma_start3A_756] : memref<819200x128xf32, #tpu.memory_space<hbm>> -> memref<128x128xf32, #tpu.memory_space<hbm>>
      %dma_start3A_758 = tpu.memref_slice %arg8[%dma_start3A_751] : memref<4x!tpu.dma_semaphore, #tpu.memory_space<semaphore_mem>> -> memref<1x!tpu.dma_semaphore, #tpu.memory_space<semaphore_mem>>
      %dma_start3A_759 = tpu.memref_squeeze %dma_start3A_758 : memref<1x!tpu.dma_semaphore, #tpu.memory_space<semaphore_mem>> -> memref<!tpu.dma_semaphore, #tpu.memory_space<semaphore_mem>>
      %dma_start3A_760 = arith.constant 0 : i32
      %dma_start3A_761 = tpu.memref_slice %arg4[%add3A_749, %dma_start3A_760] : memref<819200x128xf32, #tpu.memory_space<hbm>> -> memref<128x128xf32, #tpu.memory_space<hbm>>
      %dma_start3A_762 = arith.constant 0 : i32
      %dma_start3A_763 = arith.constant 0 : i32
      %dma_start3A_764 = tpu.memref_slice %arg6[%dma_start3A_750, %dma_start3A_762, %dma_start3A_763] : memref<4x128x128xf32, #tpu.memory_space<vmem>> -> memref<1x128x128xf32, #tpu.memory_space<vmem>>
      %dma_start3A_765 = tpu.memref_squeeze %dma_start3A_764 : memref<1x128x128xf32, #tpu.memory_space<vmem>> -> memref<128x128xf32, #tpu.memory_space<vmem>>
      tpu.enqueue_dma source(%dma_start3A_765 : memref<128x128xf32, #tpu.memory_space<vmem>>) target(%dma_start3A_761 : memref<128x128xf32, #tpu.memory_space<hbm>>) target_semaphore(%dma_start3A_759 : memref<!tpu.dma_semaphore, #tpu.memory_space<semaphore_mem>>)
      %dma_wait3A_766 = arith.constant 2 : i32
      %dma_wait3A_767 = arith.constant 2 : i32
      %dma_wait3A_768 = arith.constant 0 : i32
      %dma_wait3A_769 = arith.constant 0 : i32
      %dma_wait3A_770 = tpu.memref_slice %arg6[%dma_wait3A_766, %dma_wait3A_768, %dma_wait3A_769] : memref<4x128x128xf32, #tpu.memory_space<vmem>> -> memref<1x128x128xf32, #tpu.memory_space<vmem>>
      %dma_wait3A_771 = tpu.memref_squeeze %dma_wait3A_770 : memref<1x128x128xf32, #tpu.memory_space<vmem>> -> memref<128x128xf32, #tpu.memory_space<vmem>>
      %dma_wait3A_772 = arith.constant 0 : i32
      %dma_wait3A_773 = tpu.memref_slice %arg4[%mul3A_2, %dma_wait3A_772] : memref<819200x128xf32, #tpu.memory_space<hbm>> -> memref<128x128xf32, #tpu.memory_space<hbm>>
      %dma_wait3A_774 = tpu.memref_slice %arg8[%dma_wait3A_767] : memref<4x!tpu.dma_semaphore, #tpu.memory_space<semaphore_mem>> -> memref<1x!tpu.dma_semaphore, #tpu.memory_space<semaphore_mem>>
      %dma_wait3A_775 = tpu.memref_squeeze %dma_wait3A_774 : memref<1x!tpu.dma_semaphore, #tpu.memory_space<semaphore_mem>> -> memref<!tpu.dma_semaphore, #tpu.memory_space<semaphore_mem>>
      %dma_wait3A_776 = arith.constant 0 : i32
      %dma_wait3A_777 = tpu.memref_slice %arg4[%mul3A_2, %dma_wait3A_776] : memref<819200x128xf32, #tpu.memory_space<hbm>> -> memref<128x128xf32, #tpu.memory_space<hbm>>
      %dma_wait3A_778 = arith.constant 0 : i32
      %dma_wait3A_779 = arith.constant 0 : i32
      %dma_wait3A_780 = tpu.memref_slice %arg6[%dma_wait3A_766, %dma_wait3A_778, %dma_wait3A_779] : memref<4x128x128xf32, #tpu.memory_space<vmem>> -> memref<1x128x128xf32, #tpu.memory_space<vmem>>
      %dma_wait3A_781 = tpu.memref_squeeze %dma_wait3A_780 : memref<1x128x128xf32, #tpu.memory_space<vmem>> -> memref<128x128xf32, #tpu.memory_space<vmem>>
      tpu.wait_dma2 semaphore(%dma_wait3A_775 : memref<!tpu.dma_semaphore, #tpu.memory_space<semaphore_mem>>) src(%dma_wait3A_781 : memref<128x128xf32, #tpu.memory_space<vmem>>) dst(%dma_wait3A_777 : memref<128x128xf32, #tpu.memory_space<hbm>>)
      %add3A_782 = arith.constant 4 : i32
      %add3A_783 = arith.addi %add3A_731, %add3A_782 : i32
      %sub3A_784 = arith.constant 1 : i32
      %sub3A_785 = arith.subi %add3A_783, %sub3A_784 : i32
      %dma_start3A_786 = arith.constant 2 : i32
      %dma_start3A_787 = arith.constant 2 : i32
      %dma_start3A_788 = arith.constant 0 : i32
      %dma_start3A_789 = arith.constant 0 : i32
      %dma_start3A_790 = tpu.memref_slice %arg6[%dma_start3A_786, %dma_start3A_788, %dma_start3A_789] : memref<4x128x128xf32, #tpu.memory_space<vmem>> -> memref<1x128x128xf32, #tpu.memory_space<vmem>>
      %dma_start3A_791 = tpu.memref_squeeze %dma_start3A_790 : memref<1x128x128xf32, #tpu.memory_space<vmem>> -> memref<128x128xf32, #tpu.memory_space<vmem>>
      %dma_start3A_792 = arith.constant 0 : i32
      %dma_start3A_793 = tpu.memref_slice %arg5[%sub3A_785, %dma_start3A_792] : memref<200x128xi32, #tpu.memory_space<vmem>> -> memref<1x128xi32, #tpu.memory_space<vmem>>
      %dma_start3A_794 = tpu.memref_squeeze %dma_start3A_793 : memref<1x128xi32, #tpu.memory_space<vmem>> -> memref<128xi32, #tpu.memory_space<vmem>>
      %dma_start3A_795 = arith.constant 0 : i32
      %dma_start3A_796 = arith.constant 0 : i32
      %dma_start3A_797 = tpu.memref_slice %arg2[%dma_start3A_795, %dma_start3A_796] : memref<1000000x128xf32, #tpu.memory_space<hbm>> -> memref<1000000x128xf32, #tpu.memory_space<hbm>>
      %dma_start3A_798 = tpu.memref_slice %arg7[%dma_start3A_787] : memref<4x!tpu.dma_semaphore, #tpu.memory_space<semaphore_mem>> -> memref<1x!tpu.dma_semaphore, #tpu.memory_space<semaphore_mem>>
      %dma_start3A_799 = tpu.memref_squeeze %dma_start3A_798 : memref<1x!tpu.dma_semaphore, #tpu.memory_space<semaphore_mem>> -> memref<!tpu.dma_semaphore, #tpu.memory_space<semaphore_mem>>
      tpu.enqueue_indirect_dma source(%dma_start3A_797 : memref<1000000x128xf32, #tpu.memory_space<hbm>>) target(%dma_start3A_791 : memref<128x128xf32, #tpu.memory_space<vmem>>) offsets(%dma_start3A_794 : memref<128xi32, #tpu.memory_space<vmem>>) semaphore(%dma_start3A_799 : memref<!tpu.dma_semaphore, #tpu.memory_space<semaphore_mem>>)
    }
    %scan3A_290 = arith.constant 48 : i32
    %dma_wait3A_291 = arith.constant 0 : i32
    %dma_wait3A_292 = arith.constant 0 : i32
    %dma_wait3A_293 = arith.constant 0 : i32
    %dma_wait3A_294 = arith.constant 0 : i32
    %dma_wait3A_295 = arith.constant 0 : i32
    %dma_wait3A_296 = tpu.memref_slice %arg6[%dma_wait3A_292, %dma_wait3A_294, %dma_wait3A_295] : memref<4x128x128xf32, #tpu.memory_space<vmem>> -> memref<1x128x128xf32, #tpu.memory_space<vmem>>
    %dma_wait3A_297 = tpu.memref_squeeze %dma_wait3A_296 : memref<1x128x128xf32, #tpu.memory_space<vmem>> -> memref<128x128xf32, #tpu.memory_space<vmem>>
    %dma_wait3A_298 = arith.constant 0 : i32
    %dma_wait3A_299 = tpu.memref_slice %arg5[%dma_wait3A_291, %dma_wait3A_298] : memref<200x128xi32, #tpu.memory_space<vmem>> -> memref<1x128xi32, #tpu.memory_space<vmem>>
    %dma_wait3A_300 = tpu.memref_squeeze %dma_wait3A_299 : memref<1x128xi32, #tpu.memory_space<vmem>> -> memref<128xi32, #tpu.memory_space<vmem>>
    %dma_wait3A_301 = arith.constant 0 : i32
    %dma_wait3A_302 = arith.constant 0 : i32
    %dma_wait3A_303 = tpu.memref_slice %arg2[%dma_wait3A_301, %dma_wait3A_302] : memref<1000000x128xf32, #tpu.memory_space<hbm>> -> memref<1000000x128xf32, #tpu.memory_space<hbm>>
    %dma_wait3A_304 = tpu.memref_slice %arg7[%dma_wait3A_293] : memref<4x!tpu.dma_semaphore, #tpu.memory_space<semaphore_mem>> -> memref<1x!tpu.dma_semaphore, #tpu.memory_space<semaphore_mem>>
    %dma_wait3A_305 = tpu.memref_squeeze %dma_wait3A_304 : memref<1x!tpu.dma_semaphore, #tpu.memory_space<semaphore_mem>> -> memref<!tpu.dma_semaphore, #tpu.memory_space<semaphore_mem>>
    tpu.wait_indirect_dma semaphore(%dma_wait3A_305 : memref<!tpu.dma_semaphore, #tpu.memory_space<semaphore_mem>>) src(%dma_wait3A_303 : memref<1000000x128xf32, #tpu.memory_space<hbm>>) dst(%dma_wait3A_297 : memref<128x128xf32, #tpu.memory_space<vmem>>)
    %add3A_306 = arith.constant 25088 : i32
    %add3A_307 = arith.addi %mul3A_2, %add3A_306 : i32
    %dma_start3A_308 = arith.constant 0 : i32
    %dma_start3A_309 = arith.constant 0 : i32
    %dma_start3A_310 = arith.constant 0 : i32
    %dma_start3A_311 = arith.constant 0 : i32
    %dma_start3A_312 = tpu.memref_slice %arg6[%dma_start3A_308, %dma_start3A_310, %dma_start3A_311] : memref<4x128x128xf32, #tpu.memory_space<vmem>> -> memref<1x128x128xf32, #tpu.memory_space<vmem>>
    %dma_start3A_313 = tpu.memref_squeeze %dma_start3A_312 : memref<1x128x128xf32, #tpu.memory_space<vmem>> -> memref<128x128xf32, #tpu.memory_space<vmem>>
    %dma_start3A_314 = arith.constant 0 : i32
    %dma_start3A_315 = tpu.memref_slice %arg4[%add3A_307, %dma_start3A_314] : memref<819200x128xf32, #tpu.memory_space<hbm>> -> memref<128x128xf32, #tpu.memory_space<hbm>>
    %dma_start3A_316 = tpu.memref_slice %arg8[%dma_start3A_309] : memref<4x!tpu.dma_semaphore, #tpu.memory_space<semaphore_mem>> -> memref<1x!tpu.dma_semaphore, #tpu.memory_space<semaphore_mem>>
    %dma_start3A_317 = tpu.memref_squeeze %dma_start3A_316 : memref<1x!tpu.dma_semaphore, #tpu.memory_space<semaphore_mem>> -> memref<!tpu.dma_semaphore, #tpu.memory_space<semaphore_mem>>
    %dma_start3A_318 = arith.constant 0 : i32
    %dma_start3A_319 = tpu.memref_slice %arg4[%add3A_307, %dma_start3A_318] : memref<819200x128xf32, #tpu.memory_space<hbm>> -> memref<128x128xf32, #tpu.memory_space<hbm>>
    %dma_start3A_320 = arith.constant 0 : i32
    %dma_start3A_321 = arith.constant 0 : i32
    %dma_start3A_322 = tpu.memref_slice %arg6[%dma_start3A_308, %dma_start3A_320, %dma_start3A_321] : memref<4x128x128xf32, #tpu.memory_space<vmem>> -> memref<1x128x128xf32, #tpu.memory_space<vmem>>
    %dma_start3A_323 = tpu.memref_squeeze %dma_start3A_322 : memref<1x128x128xf32, #tpu.memory_space<vmem>> -> memref<128x128xf32, #tpu.memory_space<vmem>>
    tpu.enqueue_dma source(%dma_start3A_323 : memref<128x128xf32, #tpu.memory_space<vmem>>) target(%dma_start3A_319 : memref<128x128xf32, #tpu.memory_space<hbm>>) target_semaphore(%dma_start3A_317 : memref<!tpu.dma_semaphore, #tpu.memory_space<semaphore_mem>>)
    %dma_wait3A_324 = arith.constant 3 : i32
    %dma_wait3A_325 = arith.constant 3 : i32
    %dma_wait3A_326 = arith.constant 0 : i32
    %dma_wait3A_327 = arith.constant 0 : i32
    %dma_wait3A_328 = tpu.memref_slice %arg6[%dma_wait3A_324, %dma_wait3A_326, %dma_wait3A_327] : memref<4x128x128xf32, #tpu.memory_space<vmem>> -> memref<1x128x128xf32, #tpu.memory_space<vmem>>
    %dma_wait3A_329 = tpu.memref_squeeze %dma_wait3A_328 : memref<1x128x128xf32, #tpu.memory_space<vmem>> -> memref<128x128xf32, #tpu.memory_space<vmem>>
    %dma_wait3A_330 = arith.constant 0 : i32
    %dma_wait3A_331 = tpu.memref_slice %arg4[%mul3A_2, %dma_wait3A_330] : memref<819200x128xf32, #tpu.memory_space<hbm>> -> memref<128x128xf32, #tpu.memory_space<hbm>>
    %dma_wait3A_332 = tpu.memref_slice %arg8[%dma_wait3A_325] : memref<4x!tpu.dma_semaphore, #tpu.memory_space<semaphore_mem>> -> memref<1x!tpu.dma_semaphore, #tpu.memory_space<semaphore_mem>>
    %dma_wait3A_333 = tpu.memref_squeeze %dma_wait3A_332 : memref<1x!tpu.dma_semaphore, #tpu.memory_space<semaphore_mem>> -> memref<!tpu.dma_semaphore, #tpu.memory_space<semaphore_mem>>
    %dma_wait3A_334 = arith.constant 0 : i32
    %dma_wait3A_335 = tpu.memref_slice %arg4[%mul3A_2, %dma_wait3A_334] : memref<819200x128xf32, #tpu.memory_space<hbm>> -> memref<128x128xf32, #tpu.memory_space<hbm>>
    %dma_wait3A_336 = arith.constant 0 : i32
    %dma_wait3A_337 = arith.constant 0 : i32
    %dma_wait3A_338 = tpu.memref_slice %arg6[%dma_wait3A_324, %dma_wait3A_336, %dma_wait3A_337] : memref<4x128x128xf32, #tpu.memory_space<vmem>> -> memref<1x128x128xf32, #tpu.memory_space<vmem>>
    %dma_wait3A_339 = tpu.memref_squeeze %dma_wait3A_338 : memref<1x128x128xf32, #tpu.memory_space<vmem>> -> memref<128x128xf32, #tpu.memory_space<vmem>>
    tpu.wait_dma2 semaphore(%dma_wait3A_333 : memref<!tpu.dma_semaphore, #tpu.memory_space<semaphore_mem>>) src(%dma_wait3A_339 : memref<128x128xf32, #tpu.memory_space<vmem>>) dst(%dma_wait3A_335 : memref<128x128xf32, #tpu.memory_space<hbm>>)
    %dma_start3A_340 = arith.constant 199 : i32
    %dma_start3A_341 = arith.constant 3 : i32
    %dma_start3A_342 = arith.constant 3 : i32
    %dma_start3A_343 = arith.constant 0 : i32
    %dma_start3A_344 = arith.constant 0 : i32
    %dma_start3A_345 = tpu.memref_slice %arg6[%dma_start3A_341, %dma_start3A_343, %dma_start3A_344] : memref<4x128x128xf32, #tpu.memory_space<vmem>> -> memref<1x128x128xf32, #tpu.memory_space<vmem>>
    %dma_start3A_346 = tpu.memref_squeeze %dma_start3A_345 : memref<1x128x128xf32, #tpu.memory_space<vmem>> -> memref<128x128xf32, #tpu.memory_space<vmem>>
    %dma_start3A_347 = arith.constant 0 : i32
    %dma_start3A_348 = tpu.memref_slice %arg5[%dma_start3A_340, %dma_start3A_347] : memref<200x128xi32, #tpu.memory_space<vmem>> -> memref<1x128xi32, #tpu.memory_space<vmem>>
    %dma_start3A_349 = tpu.memref_squeeze %dma_start3A_348 : memref<1x128xi32, #tpu.memory_space<vmem>> -> memref<128xi32, #tpu.memory_space<vmem>>
    %dma_start3A_350 = arith.constant 0 : i32
    %dma_start3A_351 = arith.constant 0 : i32
    %dma_start3A_352 = tpu.memref_slice %arg2[%dma_start3A_350, %dma_start3A_351] : memref<1000000x128xf32, #tpu.memory_space<hbm>> -> memref<1000000x128xf32, #tpu.memory_space<hbm>>
    %dma_start3A_353 = tpu.memref_slice %arg7[%dma_start3A_342] : memref<4x!tpu.dma_semaphore, #tpu.memory_space<semaphore_mem>> -> memref<1x!tpu.dma_semaphore, #tpu.memory_space<semaphore_mem>>
    %dma_start3A_354 = tpu.memref_squeeze %dma_start3A_353 : memref<1x!tpu.dma_semaphore, #tpu.memory_space<semaphore_mem>> -> memref<!tpu.dma_semaphore, #tpu.memory_space<semaphore_mem>>
    tpu.enqueue_indirect_dma source(%dma_start3A_352 : memref<1000000x128xf32, #tpu.memory_space<hbm>>) target(%dma_start3A_346 : memref<128x128xf32, #tpu.memory_space<vmem>>) offsets(%dma_start3A_349 : memref<128xi32, #tpu.memory_space<vmem>>) semaphore(%dma_start3A_354 : memref<!tpu.dma_semaphore, #tpu.memory_space<semaphore_mem>>)
    %dma_wait3A_355 = arith.constant 0 : i32
    %dma_wait3A_356 = arith.constant 1 : i32
    %dma_wait3A_357 = arith.constant 1 : i32
    %dma_wait3A_358 = arith.constant 0 : i32
    %dma_wait3A_359 = arith.constant 0 : i32
    %dma_wait3A_360 = tpu.memref_slice %arg6[%dma_wait3A_356, %dma_wait3A_358, %dma_wait3A_359] : memref<4x128x128xf32, #tpu.memory_space<vmem>> -> memref<1x128x128xf32, #tpu.memory_space<vmem>>
    %dma_wait3A_361 = tpu.memref_squeeze %dma_wait3A_360 : memref<1x128x128xf32, #tpu.memory_space<vmem>> -> memref<128x128xf32, #tpu.memory_space<vmem>>
    %dma_wait3A_362 = arith.constant 0 : i32
    %dma_wait3A_363 = tpu.memref_slice %arg5[%dma_wait3A_355, %dma_wait3A_362] : memref<200x128xi32, #tpu.memory_space<vmem>> -> memref<1x128xi32, #tpu.memory_space<vmem>>
    %dma_wait3A_364 = tpu.memref_squeeze %dma_wait3A_363 : memref<1x128xi32, #tpu.memory_space<vmem>> -> memref<128xi32, #tpu.memory_space<vmem>>
    %dma_wait3A_365 = arith.constant 0 : i32
    %dma_wait3A_366 = arith.constant 0 : i32
    %dma_wait3A_367 = tpu.memref_slice %arg2[%dma_wait3A_365, %dma_wait3A_366] : memref<1000000x128xf32, #tpu.memory_space<hbm>> -> memref<1000000x128xf32, #tpu.memory_space<hbm>>
    %dma_wait3A_368 = tpu.memref_slice %arg7[%dma_wait3A_357] : memref<4x!tpu.dma_semaphore, #tpu.memory_space<semaphore_mem>> -> memref<1x!tpu.dma_semaphore, #tpu.memory_space<semaphore_mem>>
    %dma_wait3A_369 = tpu.memref_squeeze %dma_wait3A_368 : memref<1x!tpu.dma_semaphore, #tpu.memory_space<semaphore_mem>> -> memref<!tpu.dma_semaphore, #tpu.memory_space<semaphore_mem>>
    tpu.wait_indirect_dma semaphore(%dma_wait3A_369 : memref<!tpu.dma_semaphore, #tpu.memory_space<semaphore_mem>>) src(%dma_wait3A_367 : memref<1000000x128xf32, #tpu.memory_space<hbm>>) dst(%dma_wait3A_361 : memref<128x128xf32, #tpu.memory_space<vmem>>)
    %add3A_370 = arith.constant 25216 : i32
    %add3A_371 = arith.addi %mul3A_2, %add3A_370 : i32
    %dma_start3A_372 = arith.constant 1 : i32
    %dma_start3A_373 = arith.constant 1 : i32
    %dma_start3A_374 = arith.constant 0 : i32
    %dma_start3A_375 = arith.constant 0 : i32
    %dma_start3A_376 = tpu.memref_slice %arg6[%dma_start3A_372, %dma_start3A_374, %dma_start3A_375] : memref<4x128x128xf32, #tpu.memory_space<vmem>> -> memref<1x128x128xf32, #tpu.memory_space<vmem>>
    %dma_start3A_377 = tpu.memref_squeeze %dma_start3A_376 : memref<1x128x128xf32, #tpu.memory_space<vmem>> -> memref<128x128xf32, #tpu.memory_space<vmem>>
    %dma_start3A_378 = arith.constant 0 : i32
    %dma_start3A_379 = tpu.memref_slice %arg4[%add3A_371, %dma_start3A_378] : memref<819200x128xf32, #tpu.memory_space<hbm>> -> memref<128x128xf32, #tpu.memory_space<hbm>>
    %dma_start3A_380 = tpu.memref_slice %arg8[%dma_start3A_373] : memref<4x!tpu.dma_semaphore, #tpu.memory_space<semaphore_mem>> -> memref<1x!tpu.dma_semaphore, #tpu.memory_space<semaphore_mem>>
    %dma_start3A_381 = tpu.memref_squeeze %dma_start3A_380 : memref<1x!tpu.dma_semaphore, #tpu.memory_space<semaphore_mem>> -> memref<!tpu.dma_semaphore, #tpu.memory_space<semaphore_mem>>
    %dma_start3A_382 = arith.constant 0 : i32
    %dma_start3A_383 = tpu.memref_slice %arg4[%add3A_371, %dma_start3A_382] : memref<819200x128xf32, #tpu.memory_space<hbm>> -> memref<128x128xf32, #tpu.memory_space<hbm>>
    %dma_start3A_384 = arith.constant 0 : i32
    %dma_start3A_385 = arith.constant 0 : i32
    %dma_start3A_386 = tpu.memref_slice %arg6[%dma_start3A_372, %dma_start3A_384, %dma_start3A_385] : memref<4x128x128xf32, #tpu.memory_space<vmem>> -> memref<1x128x128xf32, #tpu.memory_space<vmem>>
    %dma_start3A_387 = tpu.memref_squeeze %dma_start3A_386 : memref<1x128x128xf32, #tpu.memory_space<vmem>> -> memref<128x128xf32, #tpu.memory_space<vmem>>
    tpu.enqueue_dma source(%dma_start3A_387 : memref<128x128xf32, #tpu.memory_space<vmem>>) target(%dma_start3A_383 : memref<128x128xf32, #tpu.memory_space<hbm>>) target_semaphore(%dma_start3A_381 : memref<!tpu.dma_semaphore, #tpu.memory_space<semaphore_mem>>)
    %dma_wait3A_388 = arith.constant 0 : i32
    %dma_wait3A_389 = arith.constant 2 : i32
    %dma_wait3A_390 = arith.constant 2 : i32
    %dma_wait3A_391 = arith.constant 0 : i32
    %dma_wait3A_392 = arith.constant 0 : i32
    %dma_wait3A_393 = tpu.memref_slice %arg6[%dma_wait3A_389, %dma_wait3A_391, %dma_wait3A_392] : memref<4x128x128xf32, #tpu.memory_space<vmem>> -> memref<1x128x128xf32, #tpu.memory_space<vmem>>
    %dma_wait3A_394 = tpu.memref_squeeze %dma_wait3A_393 : memref<1x128x128xf32, #tpu.memory_space<vmem>> -> memref<128x128xf32, #tpu.memory_space<vmem>>
    %dma_wait3A_395 = arith.constant 0 : i32
    %dma_wait3A_396 = tpu.memref_slice %arg5[%dma_wait3A_388, %dma_wait3A_395] : memref<200x128xi32, #tpu.memory_space<vmem>> -> memref<1x128xi32, #tpu.memory_space<vmem>>
    %dma_wait3A_397 = tpu.memref_squeeze %dma_wait3A_396 : memref<1x128xi32, #tpu.memory_space<vmem>> -> memref<128xi32, #tpu.memory_space<vmem>>
    %dma_wait3A_398 = arith.constant 0 : i32
    %dma_wait3A_399 = arith.constant 0 : i32
    %dma_wait3A_400 = tpu.memref_slice %arg2[%dma_wait3A_398, %dma_wait3A_399] : memref<1000000x128xf32, #tpu.memory_space<hbm>> -> memref<1000000x128xf32, #tpu.memory_space<hbm>>
    %dma_wait3A_401 = tpu.memref_slice %arg7[%dma_wait3A_390] : memref<4x!tpu.dma_semaphore, #tpu.memory_space<semaphore_mem>> -> memref<1x!tpu.dma_semaphore, #tpu.memory_space<semaphore_mem>>
    %dma_wait3A_402 = tpu.memref_squeeze %dma_wait3A_401 : memref<1x!tpu.dma_semaphore, #tpu.memory_space<semaphore_mem>> -> memref<!tpu.dma_semaphore, #tpu.memory_space<semaphore_mem>>
    tpu.wait_indirect_dma semaphore(%dma_wait3A_402 : memref<!tpu.dma_semaphore, #tpu.memory_space<semaphore_mem>>) src(%dma_wait3A_400 : memref<1000000x128xf32, #tpu.memory_space<hbm>>) dst(%dma_wait3A_394 : memref<128x128xf32, #tpu.memory_space<vmem>>)
    %add3A_403 = arith.constant 25344 : i32
    %add3A_404 = arith.addi %mul3A_2, %add3A_403 : i32
    %dma_start3A_405 = arith.constant 2 : i32
    %dma_start3A_406 = arith.constant 2 : i32
    %dma_start3A_407 = arith.constant 0 : i32
    %dma_start3A_408 = arith.constant 0 : i32
    %dma_start3A_409 = tpu.memref_slice %arg6[%dma_start3A_405, %dma_start3A_407, %dma_start3A_408] : memref<4x128x128xf32, #tpu.memory_space<vmem>> -> memref<1x128x128xf32, #tpu.memory_space<vmem>>
    %dma_start3A_410 = tpu.memref_squeeze %dma_start3A_409 : memref<1x128x128xf32, #tpu.memory_space<vmem>> -> memref<128x128xf32, #tpu.memory_space<vmem>>
    %dma_start3A_411 = arith.constant 0 : i32
    %dma_start3A_412 = tpu.memref_slice %arg4[%add3A_404, %dma_start3A_411] : memref<819200x128xf32, #tpu.memory_space<hbm>> -> memref<128x128xf32, #tpu.memory_space<hbm>>
    %dma_start3A_413 = tpu.memref_slice %arg8[%dma_start3A_406] : memref<4x!tpu.dma_semaphore, #tpu.memory_space<semaphore_mem>> -> memref<1x!tpu.dma_semaphore, #tpu.memory_space<semaphore_mem>>
    %dma_start3A_414 = tpu.memref_squeeze %dma_start3A_413 : memref<1x!tpu.dma_semaphore, #tpu.memory_space<semaphore_mem>> -> memref<!tpu.dma_semaphore, #tpu.memory_space<semaphore_mem>>
    %dma_start3A_415 = arith.constant 0 : i32
    %dma_start3A_416 = tpu.memref_slice %arg4[%add3A_404, %dma_start3A_415] : memref<819200x128xf32, #tpu.memory_space<hbm>> -> memref<128x128xf32, #tpu.memory_space<hbm>>
    %dma_start3A_417 = arith.constant 0 : i32
    %dma_start3A_418 = arith.constant 0 : i32
    %dma_start3A_419 = tpu.memref_slice %arg6[%dma_start3A_405, %dma_start3A_417, %dma_start3A_418] : memref<4x128x128xf32, #tpu.memory_space<vmem>> -> memref<1x128x128xf32, #tpu.memory_space<vmem>>
    %dma_start3A_420 = tpu.memref_squeeze %dma_start3A_419 : memref<1x128x128xf32, #tpu.memory_space<vmem>> -> memref<128x128xf32, #tpu.memory_space<vmem>>
    tpu.enqueue_dma source(%dma_start3A_420 : memref<128x128xf32, #tpu.memory_space<vmem>>) target(%dma_start3A_416 : memref<128x128xf32, #tpu.memory_space<hbm>>) target_semaphore(%dma_start3A_414 : memref<!tpu.dma_semaphore, #tpu.memory_space<semaphore_mem>>)
    %dma_wait3A_421 = arith.constant 0 : i32
    %dma_wait3A_422 = arith.constant 3 : i32
    %dma_wait3A_423 = arith.constant 3 : i32
    %dma_wait3A_424 = arith.constant 0 : i32
    %dma_wait3A_425 = arith.constant 0 : i32
    %dma_wait3A_426 = tpu.memref_slice %arg6[%dma_wait3A_422, %dma_wait3A_424, %dma_wait3A_425] : memref<4x128x128xf32, #tpu.memory_space<vmem>> -> memref<1x128x128xf32, #tpu.memory_space<vmem>>
    %dma_wait3A_427 = tpu.memref_squeeze %dma_wait3A_426 : memref<1x128x128xf32, #tpu.memory_space<vmem>> -> memref<128x128xf32, #tpu.memory_space<vmem>>
    %dma_wait3A_428 = arith.constant 0 : i32
    %dma_wait3A_429 = tpu.memref_slice %arg5[%dma_wait3A_421, %dma_wait3A_428] : memref<200x128xi32, #tpu.memory_space<vmem>> -> memref<1x128xi32, #tpu.memory_space<vmem>>
    %dma_wait3A_430 = tpu.memref_squeeze %dma_wait3A_429 : memref<1x128xi32, #tpu.memory_space<vmem>> -> memref<128xi32, #tpu.memory_space<vmem>>
    %dma_wait3A_431 = arith.constant 0 : i32
    %dma_wait3A_432 = arith.constant 0 : i32
    %dma_wait3A_433 = tpu.memref_slice %arg2[%dma_wait3A_431, %dma_wait3A_432] : memref<1000000x128xf32, #tpu.memory_space<hbm>> -> memref<1000000x128xf32, #tpu.memory_space<hbm>>
    %dma_wait3A_434 = tpu.memref_slice %arg7[%dma_wait3A_423] : memref<4x!tpu.dma_semaphore, #tpu.memory_space<semaphore_mem>> -> memref<1x!tpu.dma_semaphore, #tpu.memory_space<semaphore_mem>>
    %dma_wait3A_435 = tpu.memref_squeeze %dma_wait3A_434 : memref<1x!tpu.dma_semaphore, #tpu.memory_space<semaphore_mem>> -> memref<!tpu.dma_semaphore, #tpu.memory_space<semaphore_mem>>
    tpu.wait_indirect_dma semaphore(%dma_wait3A_435 : memref<!tpu.dma_semaphore, #tpu.memory_space<semaphore_mem>>) src(%dma_wait3A_433 : memref<1000000x128xf32, #tpu.memory_space<hbm>>) dst(%dma_wait3A_427 : memref<128x128xf32, #tpu.memory_space<vmem>>)
    %add3A_436 = arith.constant 25472 : i32
    %add3A_437 = arith.addi %mul3A_2, %add3A_436 : i32
    %dma_start3A_438 = arith.constant 3 : i32
    %dma_start3A_439 = arith.constant 3 : i32
    %dma_start3A_440 = arith.constant 0 : i32
    %dma_start3A_441 = arith.constant 0 : i32
    %dma_start3A_442 = tpu.memref_slice %arg6[%dma_start3A_438, %dma_start3A_440, %dma_start3A_441] : memref<4x128x128xf32, #tpu.memory_space<vmem>> -> memref<1x128x128xf32, #tpu.memory_space<vmem>>
    %dma_start3A_443 = tpu.memref_squeeze %dma_start3A_442 : memref<1x128x128xf32, #tpu.memory_space<vmem>> -> memref<128x128xf32, #tpu.memory_space<vmem>>
    %dma_start3A_444 = arith.constant 0 : i32
    %dma_start3A_445 = tpu.memref_slice %arg4[%add3A_437, %dma_start3A_444] : memref<819200x128xf32, #tpu.memory_space<hbm>> -> memref<128x128xf32, #tpu.memory_space<hbm>>
    %dma_start3A_446 = tpu.memref_slice %arg8[%dma_start3A_439] : memref<4x!tpu.dma_semaphore, #tpu.memory_space<semaphore_mem>> -> memref<1x!tpu.dma_semaphore, #tpu.memory_space<semaphore_mem>>
    %dma_start3A_447 = tpu.memref_squeeze %dma_start3A_446 : memref<1x!tpu.dma_semaphore, #tpu.memory_space<semaphore_mem>> -> memref<!tpu.dma_semaphore, #tpu.memory_space<semaphore_mem>>
    %dma_start3A_448 = arith.constant 0 : i32
    %dma_start3A_449 = tpu.memref_slice %arg4[%add3A_437, %dma_start3A_448] : memref<819200x128xf32, #tpu.memory_space<hbm>> -> memref<128x128xf32, #tpu.memory_space<hbm>>
    %dma_start3A_450 = arith.constant 0 : i32
    %dma_start3A_451 = arith.constant 0 : i32
    %dma_start3A_452 = tpu.memref_slice %arg6[%dma_start3A_438, %dma_start3A_450, %dma_start3A_451] : memref<4x128x128xf32, #tpu.memory_space<vmem>> -> memref<1x128x128xf32, #tpu.memory_space<vmem>>
    %dma_start3A_453 = tpu.memref_squeeze %dma_start3A_452 : memref<1x128x128xf32, #tpu.memory_space<vmem>> -> memref<128x128xf32, #tpu.memory_space<vmem>>
    tpu.enqueue_dma source(%dma_start3A_453 : memref<128x128xf32, #tpu.memory_space<vmem>>) target(%dma_start3A_449 : memref<128x128xf32, #tpu.memory_space<hbm>>) target_semaphore(%dma_start3A_447 : memref<!tpu.dma_semaphore, #tpu.memory_space<semaphore_mem>>)
    %dma_wait3A_454 = arith.constant 0 : i32
    %dma_wait3A_455 = arith.constant 0 : i32
    %dma_wait3A_456 = arith.constant 0 : i32
    %dma_wait3A_457 = arith.constant 0 : i32
    %dma_wait3A_458 = tpu.memref_slice %arg6[%dma_wait3A_454, %dma_wait3A_456, %dma_wait3A_457] : memref<4x128x128xf32, #tpu.memory_space<vmem>> -> memref<1x128x128xf32, #tpu.memory_space<vmem>>
    %dma_wait3A_459 = tpu.memref_squeeze %dma_wait3A_458 : memref<1x128x128xf32, #tpu.memory_space<vmem>> -> memref<128x128xf32, #tpu.memory_space<vmem>>
    %dma_wait3A_460 = arith.constant 0 : i32
    %dma_wait3A_461 = tpu.memref_slice %arg4[%mul3A_2, %dma_wait3A_460] : memref<819200x128xf32, #tpu.memory_space<hbm>> -> memref<128x128xf32, #tpu.memory_space<hbm>>
    %dma_wait3A_462 = tpu.memref_slice %arg8[%dma_wait3A_455] : memref<4x!tpu.dma_semaphore, #tpu.memory_space<semaphore_mem>> -> memref<1x!tpu.dma_semaphore, #tpu.memory_space<semaphore_mem>>
    %dma_wait3A_463 = tpu.memref_squeeze %dma_wait3A_462 : memref<1x!tpu.dma_semaphore, #tpu.memory_space<semaphore_mem>> -> memref<!tpu.dma_semaphore, #tpu.memory_space<semaphore_mem>>
    %dma_wait3A_464 = arith.constant 0 : i32
    %dma_wait3A_465 = tpu.memref_slice %arg4[%mul3A_2, %dma_wait3A_464] : memref<819200x128xf32, #tpu.memory_space<hbm>> -> memref<128x128xf32, #tpu.memory_space<hbm>>
    %dma_wait3A_466 = arith.constant 0 : i32
    %dma_wait3A_467 = arith.constant 0 : i32
    %dma_wait3A_468 = tpu.memref_slice %arg6[%dma_wait3A_454, %dma_wait3A_466, %dma_wait3A_467] : memref<4x128x128xf32, #tpu.memory_space<vmem>> -> memref<1x128x128xf32, #tpu.memory_space<vmem>>
    %dma_wait3A_469 = tpu.memref_squeeze %dma_wait3A_468 : memref<1x128x128xf32, #tpu.memory_space<vmem>> -> memref<128x128xf32, #tpu.memory_space<vmem>>
    tpu.wait_dma2 semaphore(%dma_wait3A_463 : memref<!tpu.dma_semaphore, #tpu.memory_space<semaphore_mem>>) src(%dma_wait3A_469 : memref<128x128xf32, #tpu.memory_space<vmem>>) dst(%dma_wait3A_465 : memref<128x128xf32, #tpu.memory_space<hbm>>)
    %dma_wait3A_470 = arith.constant 1 : i32
    %dma_wait3A_471 = arith.constant 1 : i32
    %dma_wait3A_472 = arith.constant 0 : i32
    %dma_wait3A_473 = arith.constant 0 : i32
    %dma_wait3A_474 = tpu.memref_slice %arg6[%dma_wait3A_470, %dma_wait3A_472, %dma_wait3A_473] : memref<4x128x128xf32, #tpu.memory_space<vmem>> -> memref<1x128x128xf32, #tpu.memory_space<vmem>>
    %dma_wait3A_475 = tpu.memref_squeeze %dma_wait3A_474 : memref<1x128x128xf32, #tpu.memory_space<vmem>> -> memref<128x128xf32, #tpu.memory_space<vmem>>
    %dma_wait3A_476 = arith.constant 0 : i32
    %dma_wait3A_477 = tpu.memref_slice %arg4[%mul3A_2, %dma_wait3A_476] : memref<819200x128xf32, #tpu.memory_space<hbm>> -> memref<128x128xf32, #tpu.memory_space<hbm>>
    %dma_wait3A_478 = tpu.memref_slice %arg8[%dma_wait3A_471] : memref<4x!tpu.dma_semaphore, #tpu.memory_space<semaphore_mem>> -> memref<1x!tpu.dma_semaphore, #tpu.memory_space<semaphore_mem>>
    %dma_wait3A_479 = tpu.memref_squeeze %dma_wait3A_478 : memref<1x!tpu.dma_semaphore, #tpu.memory_space<semaphore_mem>> -> memref<!tpu.dma_semaphore, #tpu.memory_space<semaphore_mem>>
    %dma_wait3A_480 = arith.constant 0 : i32
    %dma_wait3A_481 = tpu.memref_slice %arg4[%mul3A_2, %dma_wait3A_480] : memref<819200x128xf32, #tpu.memory_space<hbm>> -> memref<128x128xf32, #tpu.memory_space<hbm>>
    %dma_wait3A_482 = arith.constant 0 : i32
    %dma_wait3A_483 = arith.constant 0 : i32
    %dma_wait3A_484 = tpu.memref_slice %arg6[%dma_wait3A_470, %dma_wait3A_482, %dma_wait3A_483] : memref<4x128x128xf32, #tpu.memory_space<vmem>> -> memref<1x128x128xf32, #tpu.memory_space<vmem>>
    %dma_wait3A_485 = tpu.memref_squeeze %dma_wait3A_484 : memref<1x128x128xf32, #tpu.memory_space<vmem>> -> memref<128x128xf32, #tpu.memory_space<vmem>>
    tpu.wait_dma2 semaphore(%dma_wait3A_479 : memref<!tpu.dma_semaphore, #tpu.memory_space<semaphore_mem>>) src(%dma_wait3A_485 : memref<128x128xf32, #tpu.memory_space<vmem>>) dst(%dma_wait3A_481 : memref<128x128xf32, #tpu.memory_space<hbm>>)
    %dma_wait3A_486 = arith.constant 2 : i32
    %dma_wait3A_487 = arith.constant 2 : i32
    %dma_wait3A_488 = arith.constant 0 : i32
    %dma_wait3A_489 = arith.constant 0 : i32
    %dma_wait3A_490 = tpu.memref_slice %arg6[%dma_wait3A_486, %dma_wait3A_488, %dma_wait3A_489] : memref<4x128x128xf32, #tpu.memory_space<vmem>> -> memref<1x128x128xf32, #tpu.memory_space<vmem>>
    %dma_wait3A_491 = tpu.memref_squeeze %dma_wait3A_490 : memref<1x128x128xf32, #tpu.memory_space<vmem>> -> memref<128x128xf32, #tpu.memory_space<vmem>>
    %dma_wait3A_492 = arith.constant 0 : i32
    %dma_wait3A_493 = tpu.memref_slice %arg4[%mul3A_2, %dma_wait3A_492] : memref<819200x128xf32, #tpu.memory_space<hbm>> -> memref<128x128xf32, #tpu.memory_space<hbm>>
    %dma_wait3A_494 = tpu.memref_slice %arg8[%dma_wait3A_487] : memref<4x!tpu.dma_semaphore, #tpu.memory_space<semaphore_mem>> -> memref<1x!tpu.dma_semaphore, #tpu.memory_space<semaphore_mem>>
    %dma_wait3A_495 = tpu.memref_squeeze %dma_wait3A_494 : memref<1x!tpu.dma_semaphore, #tpu.memory_space<semaphore_mem>> -> memref<!tpu.dma_semaphore, #tpu.memory_space<semaphore_mem>>
    %dma_wait3A_496 = arith.constant 0 : i32
    %dma_wait3A_497 = tpu.memref_slice %arg4[%mul3A_2, %dma_wait3A_496] : memref<819200x128xf32, #tpu.memory_space<hbm>> -> memref<128x128xf32, #tpu.memory_space<hbm>>
    %dma_wait3A_498 = arith.constant 0 : i32
    %dma_wait3A_499 = arith.constant 0 : i32
    %dma_wait3A_500 = tpu.memref_slice %arg6[%dma_wait3A_486, %dma_wait3A_498, %dma_wait3A_499] : memref<4x128x128xf32, #tpu.memory_space<vmem>> -> memref<1x128x128xf32, #tpu.memory_space<vmem>>
    %dma_wait3A_501 = tpu.memref_squeeze %dma_wait3A_500 : memref<1x128x128xf32, #tpu.memory_space<vmem>> -> memref<128x128xf32, #tpu.memory_space<vmem>>
    tpu.wait_dma2 semaphore(%dma_wait3A_495 : memref<!tpu.dma_semaphore, #tpu.memory_space<semaphore_mem>>) src(%dma_wait3A_501 : memref<128x128xf32, #tpu.memory_space<vmem>>) dst(%dma_wait3A_497 : memref<128x128xf32, #tpu.memory_space<hbm>>)
    %dma_wait3A_502 = arith.constant 3 : i32
    %dma_wait3A_503 = arith.constant 3 : i32
    %dma_wait3A_504 = arith.constant 0 : i32
    %dma_wait3A_505 = arith.constant 0 : i32
    %dma_wait3A_506 = tpu.memref_slice %arg6[%dma_wait3A_502, %dma_wait3A_504, %dma_wait3A_505] : memref<4x128x128xf32, #tpu.memory_space<vmem>> -> memref<1x128x128xf32, #tpu.memory_space<vmem>>
    %dma_wait3A_507 = tpu.memref_squeeze %dma_wait3A_506 : memref<1x128x128xf32, #tpu.memory_space<vmem>> -> memref<128x128xf32, #tpu.memory_space<vmem>>
    %dma_wait3A_508 = arith.constant 0 : i32
    %dma_wait3A_509 = tpu.memref_slice %arg4[%mul3A_2, %dma_wait3A_508] : memref<819200x128xf32, #tpu.memory_space<hbm>> -> memref<128x128xf32, #tpu.memory_space<hbm>>
    %dma_wait3A_510 = tpu.memref_slice %arg8[%dma_wait3A_503] : memref<4x!tpu.dma_semaphore, #tpu.memory_space<semaphore_mem>> -> memref<1x!tpu.dma_semaphore, #tpu.memory_space<semaphore_mem>>
    %dma_wait3A_511 = tpu.memref_squeeze %dma_wait3A_510 : memref<1x!tpu.dma_semaphore, #tpu.memory_space<semaphore_mem>> -> memref<!tpu.dma_semaphore, #tpu.memory_space<semaphore_mem>>
    %dma_wait3A_512 = arith.constant 0 : i32
    %dma_wait3A_513 = tpu.memref_slice %arg4[%mul3A_2, %dma_wait3A_512] : memref<819200x128xf32, #tpu.memory_space<hbm>> -> memref<128x128xf32, #tpu.memory_space<hbm>>
    %dma_wait3A_514 = arith.constant 0 : i32
    %dma_wait3A_515 = arith.constant 0 : i32
    %dma_wait3A_516 = tpu.memref_slice %arg6[%dma_wait3A_502, %dma_wait3A_514, %dma_wait3A_515] : memref<4x128x128xf32, #tpu.memory_space<vmem>> -> memref<1x128x128xf32, #tpu.memory_space<vmem>>
    %dma_wait3A_517 = tpu.memref_squeeze %dma_wait3A_516 : memref<1x128x128xf32, #tpu.memory_space<vmem>> -> memref<128x128xf32, #tpu.memory_space<vmem>>
    tpu.wait_dma2 semaphore(%dma_wait3A_511 : memref<!tpu.dma_semaphore, #tpu.memory_space<semaphore_mem>>) src(%dma_wait3A_517 : memref<128x128xf32, #tpu.memory_space<vmem>>) dst(%dma_wait3A_513 : memref<128x128xf32, #tpu.memory_space<hbm>>)
    return
  }
}

</mosaic_0001>

<sc_bundles>
// kernel: kernel.3.cloned.1.call-start
scs
__scs_entry_jumppad:
0x0: {  	(pc) =	sbr.rel $0x88, $3  }
0x1: {  	(tag) =	ssettag $0x0;
	lr =	simm.s32 $0x1  }
0x2: {  	[smem:$0x3F9F] =	sst lr;
	_ =	strace $0xD0000000  }
0x3: {  	_ = 	snop  }
0x4: {  	_ = 	snop  }
0x5: {  	_ = 	snop  }
0x6: {  	_ = 	snop  }
0x7: {  	_ = 	snop  }
__scs_overlays_trampoline_lowered:
0x8: {  	[smem:$0x3FAE] =	sst s0  }
0x9: {  	[smem:$0x3FAF] =	sst s1  }
0xa: {  	[smem:$0x3FB0] =	sst s2  }
0xb: {  	[smem:$0x3FB1] =	sst s3  }
0xc: {  	[smem:$0x3FB2] =	sst s4  }
0xd: {  	[smem:$0x3FB3] =	sst s5  }
0xe: {  	[smem:$0x3FB4] =	sst s6  }
0xf: {  	[smem:$0x3FB5] =	sst s7  }
0x10: {  	[smem:$0x3FB6] =	sst s8  }
0x11: {  	[smem:$0x3FB7] =	sst s9;
	s0 =	simm.s32 @!p0 $0x0  }
0x12: {  	s1 =	sld [smem:$0x3F9D];
	s0 =	simm.s32 @p0 $0x1  }
0x13: {  	[smem:$0x3FB8] =	sst s0;
	s0 =	simm.s32 @!p1 $0x0  }
0x14: {  	s2 =	sld [smem:$0x3F9C];
	s0 =	simm.s32 @p1 $0x1  }
0x15: {  	[smem:$0x3FB9] =	sst s0;
	s0 =	simm.s32 @!p2 $0x0  }
0x16: {  	s3 =	sld [smem:$0x3FDB];
	s0 =	simm.s32 @p2 $0x1  }
0x17: {  	s4 =	simm.s32 $0x1BF5;
	[smem:$0x3FBB] =	sst s0  }
0x18: {  	s0 =	sld [smem:$0x3F9E];
	_ =	swait.ge [sflag:s4], $0x0  }
0x19: {  	s7 =	sld [smem:$0x3F9F]  }
0x1a: {  	s8 =	sadd.s32 $0xFFFFE003, lr  }
0x1b: {  	s9 =	sadd.s32 $0xFFFFFEF7, lr;
	s5 =	simm.s32 $0xFFFFFFFF;
	p2 =	slt.u32 s8, $0xFFFFF086  }
0x1c: {  	p1 =	slt.u32 s9, $0xF7A;
	s5 =	simm.s32 @!p2 $0x0  }
0x1d: {  	s5 =	simm.s32 @p1 $0x1;
	p0 =	seq.s32 s7, s2  }
0x1e: {  	s7 =	smul.u32 @!p0 $0xF7A, s2;
	p2 =	seq.s32 @!p0 s5, $0x0  }
0x1f: {  	s9 =	smul.u32 $0xF7A, s1;
	s8 =	simm.s32 @!p0 $0x1BF5;
	p2 =	por !p2, p0  }
0x20: {  	[sflag:s8] =	ssyncset.s32 @!p0 $0xFFFFF086;
	s6 =	sadd.s32 @!p0 s3, s7;
	s7 =	simm.s32 @!p0 $0x108  }
0x21: {  	s3 =	sadd.s32 s3, s9;
	s6 =	sadd.s32 @!p0 $0x88, s6;
	s7 =	simm.s32 @p2 $0x1082  }
0x22: {  	[simem:s7], [sflag:s8] =	dma.local @!p0 [hbm:s6], $0xF7A  }
0x23: {  	s9 =	sor.u32 $0xD0000000, s2;
	s6 =	simm.s32 $0x108;
	_ =	swait.ge @!p0 [sflag:s8], $0x0  }
0x24: {  	s3 =	sadd.s32 $0x88, s3;
	s6 =	simm.s32 @!p1 $0x1082;
	[sflag:s4] =	ssyncset.s32 $0xFFFFF086  }
0x25: {  	[simem:s6], [sflag:s4] =	dma.local [hbm:s3], $0xF7A  }
0x26: {  	[smem:$0x3F9F] =	sst s1;
	(tag) =	ssettag s2;
	_ =	strace s9  }
0x27: {  	s1 =	sld [smem:$0x3FAF]  }
0x28: {  	s2 =	sld [smem:$0x3FB0]  }
0x29: {  	s4 =	sld [smem:$0x3FB2]  }
0x2a: {  	p0 =	seq.s32 s5, $0x0;
	s5 =	sld [smem:$0x3FB3]  }
0x2b: {  	s6 =	sld [smem:$0x3FB4]  }
0x2c: {  	s7 =	sld [smem:$0x3FB5]  }
0x2d: {  	s3 =	simm.s32 $0x108;
	s8 =	sld [smem:$0x3FB6]  }
0x2e: {  	s3 =	simm.s32 @!p0 $0x1082;
	s9 =	sld [smem:$0x3FB7]  }
0x2f: {  	lr =	sadd.s32 s0, s3;
	s0 =	sld [smem:$0x3FAE]  }
0x30: {  	s3 =	sld [smem:$0x3FB1]  }
0x31: {  	[smem:$0x3FBA] =	sst s10  }
0x32: {  	s10 =	sld [smem:$0x3FB8];
	_ =	sdelay $0x3  }
0x33: {  	p0 =	seq.s32 s10, $0x1;
	s10 =	sld [smem:$0x3FBA];
	_ =	sdelay $0x3  }
0x34: {  	[smem:$0x3FBA] =	sst s10  }
0x35: {  	s10 =	sld [smem:$0x3FB9];
	_ =	sdelay $0x3  }
0x36: {  	p1 =	seq.s32 s10, $0x1;
	s10 =	sld [smem:$0x3FBA];
	_ =	sdelay $0x3  }
0x37: {  	[smem:$0x3FBA] =	sst s10  }
0x38: {  	s10 =	sld [smem:$0x3FBB]  }
0x39: {  	_ = 	snop;
	(pc) =	sbr.ind lr, $3  }
0x3a: {  	_ = 	snop  }
0x3b: {  	_ = 	snop  }
0x3c: {  	p2 =	seq.s32 s10, $0x1;
	s10 =	sld [smem:$0x3FBA]  }
0x3d: {  	_ =	shalt  }
0x3e: {  	_ =	shalt  }
0x3f: {  	_ =	shalt  }
0x40: {  	_ =	shalt  }
0x41: {  	_ =	shalt  }
0x42: {  	_ =	shalt  }
0x43: {  	_ =	shalt  }
0x44: {  	_ =	shalt  }
0x45: {  	_ =	shalt  }
0x46: {  	_ =	shalt  }
0x47: {  	_ =	shalt  }
0x48: {  	_ =	shalt  }
0x49: {  	_ =	shalt  }
0x4a: {  	_ =	shalt  }
0x4b: {  	_ =	shalt  }
0x4c: {  	_ =	shalt  }
0x4d: {  	_ =	shalt  }
0x4e: {  	_ =	shalt  }
0x4f: {  	_ =	shalt  }
0x50: {  	_ =	shalt  }
0x51: {  	_ =	shalt  }
0x52: {  	_ =	shalt  }
0x53: {  	_ =	shalt  }
0x54: {  	_ =	shalt  }
0x55: {  	_ =	shalt  }
0x56: {  	_ =	shalt  }
0x57: {  	_ =	shalt  }
0x58: {  	_ =	shalt  }
0x59: {  	_ =	shalt  }
0x5a: {  	_ =	shalt  }
0x5b: {  	_ =	shalt  }
0x5c: {  	_ =	shalt  }
0x5d: {  	_ =	shalt  }
0x5e: {  	_ =	shalt  }
0x5f: {  	_ =	shalt  }
0x60: {  	_ =	shalt  }
0x61: {  	_ =	shalt  }
0x62: {  	_ =	shalt  }
0x63: {  	_ =	shalt  }
0x64: {  	_ =	shalt  }
0x65: {  	_ =	shalt  }
0x66: {  	_ =	shalt  }
0x67: {  	_ =	shalt  }
0x68: {  	_ =	shalt  }
0x69: {  	_ =	shalt  }
0x6a: {  	_ =	shalt  }
0x6b: {  	_ =	shalt  }
0x6c: {  	_ =	shalt  }
0x6d: {  	_ =	shalt  }
0x6e: {  	_ =	shalt  }
0x6f: {  	_ =	shalt  }
0x70: {  	_ =	shalt  }
0x71: {  	_ =	shalt  }
0x72: {  	_ =	shalt  }
0x73: {  	_ =	shalt  }
0x74: {  	_ =	shalt  }
0x75: {  	_ =	shalt  }
0x76: {  	_ =	shalt  }
0x77: {  	_ =	shalt  }
0x78: {  	_ =	shalt  }
0x79: {  	_ =	shalt  }
0x7a: {  	_ =	shalt  }
0x7b: {  	_ =	shalt  }
0x7c: {  	_ =	shalt  }
0x7d: {  	_ =	shalt  }
0x7e: {  	_ =	shalt  }
0x7f: {  	_ =	shalt  }
0x80: {  	_ =	shalt  }
0x81: {  	_ =	shalt  }
0x82: {  	_ =	shalt  }
0x83: {  	_ =	shalt  }
0x84: {  	_ =	shalt  }
0x85: {  	_ =	shalt  }
0x86: {  	_ =	shalt  }
0x87: {  	_ =	shalt  }
.Lfunc_end0:
.L_simem_size_0:
called_computation.1_lowered:
.L_overlay_start_0:
0x88: {  	s2 =	sld [smem:$0x3FD9]  }
0x89: {  	s3 =	sld [smem:$0x3FFE];
	_ =	sdelay $0x1  }
0x8a: {  	s1 =	srdreg.scid  }
0x8b: {  	s0 =	sand.u32 $0x1, s1  }
0x8c: {  	s17 =	sshll.u32 s0, $0xA;
	s2 =	sadd.s32 s3, s2  }
0x8d: {  	s2 =	sadd.s32 s2, s17  }
0x8e: {  	[smem:$0x3FC6] =	sst s2  }
0x8f: {  	_ = 	snop  }
0x90: {  	s2 =	sld [smem:$0x3FD0];
	(tm) =	ssettm $0x1  }
0x91: {  	s18 =	sld [smem:$0x3FFB];
	_ =	sdelay $0x3  }
0x92: {  	_ =	strace s18  }
0x93: {  	s3 =	sld [smem:$0x3FFC];
	_ =	sdelay $0x3  }
0x94: {  	_ =	strace s3  }
0x95: {  	s3 =	sld [smem:$0x3FFD];
	_ =	sdelay $0x3  }
0x96: {  	_ =	strace s3  }
0x97: {  	_ =	strace $0x8FFFFFFF  }
0x98: {  	s19 =	sld [smem:$0x3FDB];
	_ =	sdelay $0x1  }
0x99: {  	s4 =	simm.s32 $_scs_section_size  }
0x9a: {  	s5 =	simm.s32 $_size__tile_overlayer_lowered;
	s6 =	simm.s32 $_tile_overlayer_lowered  }
0x9b: {  	s22 =	simm.s32 $0x1BFF;
	s21 =	sshll.u32 s6, $0x1;
	s3 =	sadd.s32 s4, s19  }
0x9c: {  	s7 =	simm.s32 $0x0;
	s20 =	sshll.u32 s5, $0x1;
	s5 =	sadd.s32 s21, s3  }
0x9d: {  	[timem:s7], [sflag:s22] =	dma.local [hbm:s5], s20  }
0x9e: {  	_ =	swait.ge [sflag:s22], s20  }
0x9f: {  	s4 =	ssub.s32 $0x0, s20;
	[sflag:s22] =	ssyncset.done $0x0  }
0xa0: {  	[sflag:s22] =	ssyncadd.s32 s4;
	_ =	sdelay $0x1  }
0xa1: {  	s23 =	simm.s32 $0x1B8B  }
0xa2: {  	_ =	swait.ge [sflag:s23], $0x1  }
0xa3: {  	[sflag:s23] =	ssyncset.done $0x0  }
0xa4: {  	s25 =	simm.s32 $0x1B8E;
	s24 =	sld [smem:$0x3FFE];
	[sflag:s23] =	ssyncadd.s32 $0xFFFFFFFF  }
0xa5: {  	s26 =	simm.s32 $execute0_lowered;
	[smem:$0x3FD2] =	sst s25  }
0xa6: {  	s5 =	sshll.u32 s26, $0x1;
	_ =	strace $0x80000046;
	[dreg:$0x1] =	wrdreg $0xFFFFFFFF  }
0xa7: {  	s28 =	simm.s32 $_size_execute0_lowered;
	s3 =	sadd.s32 s3, s5;
	[dreg:$0x0] =	wrdreg $0x0  }
0xa8: {  	s5 =	sshll.u32 s28, $0x1;
	[dreg:$0x2] =	wrdreg s3  }
0xa9: {  	[dreg:$0x3] =	wrdreg s5  }
0xaa: {  	[dreg:$0x4] =	wrdreg $0xC0  }
0xab: {  	_ =	task [dreg:s7], $0x5FFFF  }
0xac: {  	[dreg:$0x1] =	wrdreg $0xFFFFFFFF  }
0xad: {  	[dreg:$0x0] =	wrdreg $0x60  }
0xae: {  	[dreg:$0x2] =	wrdreg s24  }
0xaf: {  	[dreg:$0x3] =	wrdreg s2  }
0xb0: {  	[dreg:$0x4] =	wrdreg $0x9  }
0xb1: {  	_ =	task.clear_ibuf [dreg:s7], $0x5FFFF;
	_ =	strace $0x90000046  }
0xb2: {  	s29 =	simm.s32 $0x9;
	_ =	strace $0x80000048  }
0xb3: {  	_ =	swait.ge [sflag:s29], $0x1  }
0xb4: {  	[sflag:s29] =	ssyncadd.s32 $0xFFFFFFFF  }
0xb5: {  	_ =	strace $0x90000048  }
0xb6: {  	_ =	sfence  }
0xb7: {  	s30 =	sld [smem:$0x0];
	_ =	sdelay $0x2  }
0xb8: {  	s31 =	sshll.u32 s1, $0xD;
	s1 =	sshrl.u32 s1, $0x2  }
0xb9: {  	s3 =	sand.u32 $0x4000, s31;
	s1 =	sadd.s32 s1, s30  }
0xba: {  	s0 =	sor.u32 s3, s0;
	s1 =	sshll.u32 s1, $0x11  }
0xbb: {  	s0 =	sor.u32 s1, s0  }
0xbc: {  	s0 =	sadd.s32 $0x8F2B, s0  }
0xbd: {  	[sflag:s0] =	ssyncadd.remote.s32 $0x1  }
0xbe: {  	_ =	sfence.sel $0xFFFF  }
0xbf: {  	[dreg:$0x0] =	wrdreg $0xFFFFFFFF;
	(pc) =	sbr.abs _section_cstart, $3  }
0xc0: {  	[dreg:$0x1] =	wrdreg $0xFFFFFFFF  }
0xc1: {  	_ =	task.clear_ibuf [dreg:s7], $0x2FFFF;
	_ =	strace $0x9FFFFFFF  }
0xc2: {  	(tm) =	ssettm $0x7FFFFFFF  }
0xc3: {  	_ =	shalt  }
tec
execute0_lowered:
.L_overlay_start_1:
0x0: {  	(tag) =	ssettag $0x1  }
0x1: {  	s0 =	rddreg [dreg:$0x0]  }
0x2: {  	s1 =	rddreg [dreg:$0x1]  }
0x3: {  	s3 =	srdreg.scid;
	s14 =	stileid.u32;
	s2 =	simm.s32 $0x0  }
0x4: {  	s16 =	simm.s32 $0x9;
	s17 =	simm.s32 $0x80;
	s18 =	simm.s32 $0x6400  }
0x5: {  	s19 =	simm.s32 $0xA400;
	s21 =	simm.s32 $0xE400;
	s29 =	simm.s32 $0x3  }
0x6: {  	s30 =	simm.s32 $0x6;
	s31 =	simm.s32 $0x0;
	s11 =	smul.u32 $0x640000, s14  }
0x7: {  	s4 =	sand.u32 $0x1, s3;
	s22 =	sshll.u32 s14, $0x1;
	s14 =	smul.u32 $0xC8000, s14  }
0x8: {  	[smem:$0x7FF] =	sst s2;
	s3 =	sadd.s32 $0xF42E00, s0;
	s12 =	smul.u32 $0x320000, s4  }
0x9: {  	s5 =	sor.u32 s4, s22;
	s7 =	ssub.s32 $0x2, s4;
	s4 =	smul.u32 $0x64000, s4  }
0xa: {  	s0 =	sadd.s32 $0xA00, s0;
	_ =	strace $0x80000047;
	s6 =	smul.u32 $0x6400, s5  }
0xb: {  	s22 =	simm.s32 $0x1;
	s8 =	smul.u32 $0x64000, s5;
	s9 =	sshrl.u32 s7, $0x1  }
0xc: {  	s10 =	smul.u32 $0x320000, s5;
	s28 =	sadd.s32 s14, s0;
	s13 =	ssub.s32 s7, s9  }
0xd: {  	s12 =	sadd.s32 s12, s11;
	s6 =	sshrl.u32 s6, $0x3;
	s5 =	sadd.s32 s0, s8  }
0xe: {  	s23 =	sshrl.u32 s10, $0x3;
	s15 =	sor.u32 $0x10000, s12;
	s13 =	smax.u32 s13, $0x1  }
0xf: {  	s1 =	sadd.s32 s1, s6;
	s24 =	sadd.s32 $0x800, s5;
	s25 =	sadd.s32 $0x1000, s5  }
0x10: {  	s8 =	sadd.s32 $0x1800, s5;
	s26 =	sshrl.u32 s15, $0x3;
	[dreg:$0x3] =	wrdreg s1  }
0x11: {  	s15 =	sadd.s32 s4, s28;
	[dreg:$0x4] =	wrdreg s24;
	s1 =	sadd.s32 s0, s23  }
0x12: {  	[dreg:$0x5] =	wrdreg s25;
	s14 =	sadd.s32 s26, s0;
	s24 =	simm.s32 $0x12400  }
0x13: {  	s25 =	simm.s32 $0x2;
	s26 =	simm.s32 $0x5;
	s0 =	simm.s32 $0x4  }
0x14: {  	s23 =	simm.s32 $0x8;
	s9 =	sadd.s32 $0x62000, s1;
	s10 =	sadd.s32 $0x62800, s1  }
0x15: {  	s11 =	sadd.s32 $0x63000, s1;
	s12 =	sadd.s32 $0x63800, s1;
	s1 =	simm.s32 $0x7  }
.LBB2_1:
0x16: {  	s4 =	rddreg [dreg:$0x3]  }
0x17: {  	[tilespmem:s2], [sflag:$0x9] =	stream.linear.gather [hbm4b:s4+s2], $0x6400, $0x38;
	[tilespmem:$0x16400] =	vst v63  }
0x18: {  	_ =	swait.ge [sflag:s16], $0x6400  }
0x19: {  	[sflag:s16] =	ssyncset.done $0x0  }
0x1a: {  	[sflag:s16] =	ssyncadd.s32 $0xFFFF9C00  }
0x1b: {  	[tilespmem:s18], [sflag:$0x1] =	stream.indirect.gather [hbm4b:s3+s17], $0x80, s2, s17, $0xb8;
	[tilespmem:$0x16400] =	vst v63  }
0x1c: {  	_ = 	snop  }
0x1d: {  	[tilespmem:s19], [sflag:$0x2] =	stream.indirect.gather [hbm4b:s3+s17], $0x80, s17, s17, $0xb8;
	[tilespmem:$0x16400] =	vst v63  }
0x1e: {  	s7 =	simm.s32 $0x100  }
0x1f: {  	[tilespmem:s21], [sflag:$0x3] =	stream.indirect.gather [hbm4b:s3+s17], $0x80, s7, s17, $0xb8;
	[tilespmem:$0x16400] =	vst v63  }
0x20: {  	_ =	swait.ge [sflag:s22], $0x4000  }
0x21: {  	[sflag:s22] =	ssyncset.done $0x0  }
0x22: {  	[sflag:s22] =	ssyncadd.s32 $0xFFFFC000  }
0x23: {  	[hbm4b:s5+s2] =	stream.linear.scatter [tilespmem:s18], [sflag:$0x5], $0x4000, $0x38;
	[tilespmem:$0x16400] =	vst v63  }
0x24: {  	s20 =	simm.s32 $0x180  }
0x25: {  	[tilespmem:s24], [sflag:$0x4] =	stream.indirect.gather [hbm4b:s3+s17], $0x80, s20, s17, $0xb8;
	[tilespmem:$0x16400] =	vst v63  }
0x26: {  	_ =	swait.ge [sflag:s25], $0x4000  }
0x27: {  	[sflag:s25] =	ssyncset.done $0x0  }
0x28: {  	s6 =	rddreg [dreg:$0x4];
	[sflag:s25] =	ssyncadd.s32 $0xFFFFC000  }
0x29: {  	[hbm4b:s6+s2] =	stream.linear.scatter [tilespmem:s19], [sflag:$0x6], $0x4000, $0x38;
	[tilespmem:$0x16400] =	vst v63  }
0x2a: {  	_ =	swait.ge [sflag:s26], $0x4000  }
0x2b: {  	[sflag:s26] =	ssyncset.done $0x0  }
0x2c: {  	s7 =	simm.s32 $0x200;
	[sflag:s26] =	ssyncadd.s32 $0xFFFFC000  }
0x2d: {  	[tilespmem:s18], [sflag:$0x1] =	stream.indirect.gather [hbm4b:s3+s17], $0x80, s7, s17, $0xb8;
	[tilespmem:$0x16400] =	vst v63  }
0x2e: {  	_ =	swait.ge [sflag:s29], $0x4000  }
0x2f: {  	[sflag:s29] =	ssyncset.done $0x0  }
0x30: {  	s20 =	rddreg [dreg:$0x5];
	[sflag:s29] =	ssyncadd.s32 $0xFFFFC000  }
0x31: {  	[hbm4b:s20+s2] =	stream.linear.scatter [tilespmem:s21], [sflag:$0x7], $0x4000, $0x38;
	[tilespmem:$0x16400] =	vst v63  }
0x32: {  	_ =	swait.ge [sflag:s30], $0x4000  }
0x33: {  	[sflag:s30] =	ssyncset.done $0x0  }
0x34: {  	s6 =	simm.s32 $0x280;
	[sflag:s30] =	ssyncadd.s32 $0xFFFFC000  }
0x35: {  	[tilespmem:s19], [sflag:$0x2] =	stream.indirect.gather [hbm4b:s3+s17], $0x80, s6, s17, $0xb8;
	[tilespmem:$0x16400] =	vst v63  }
0x36: {  	_ =	swait.ge [sflag:s0], $0x4000  }
0x37: {  	[sflag:s0] =	ssyncset.done $0x0  }
0x38: {  	[sflag:s0] =	ssyncadd.s32 $0xFFFFC000  }
0x39: {  	[hbm4b:s8+s2] =	stream.linear.scatter [tilespmem:s24], [sflag:$0x8], $0x4000, $0x38;
	[tilespmem:$0x16400] =	vst v63  }
0x3a: {  	_ =	swait.ge [sflag:s1], $0x4000  }
0x3b: {  	[sflag:s1] =	ssyncset.done $0x0  }
0x3c: {  	s7 =	simm.s32 $0x300;
	[sflag:s1] =	ssyncadd.s32 $0xFFFFC000  }
0x3d: {  	[tilespmem:s21], [sflag:$0x3] =	stream.indirect.gather [hbm4b:s3+s17], $0x80, s7, s17, $0xb8;
	[tilespmem:$0x16400] =	vst v63  }
0x3e: {  	_ =	swait.ge [sflag:s22], $0x4000  }
0x3f: {  	[sflag:s22] =	ssyncset.done $0x0  }
0x40: {  	s20 =	sadd.s32 $0x0, s14;
	[sflag:s22] =	ssyncadd.s32 $0xFFFFC000  }
0x41: {  	[hbm4b:s20+s2] =	stream.linear.scatter [tilespmem:s18], [sflag:$0x5], $0x4000, $0x38;
	[tilespmem:$0x16400] =	vst v63  }
0x42: {  	_ =	swait.ge [sflag:s23], $0x4000  }
0x43: {  	[sflag:s23] =	ssyncset.done $0x0  }
0x44: {  	s6 =	simm.s32 $0x380;
	[sflag:s23] =	ssyncadd.s32 $0xFFFFC000  }
0x45: {  	[tilespmem:s24], [sflag:$0x4] =	stream.indirect.gather [hbm4b:s3+s17], $0x80, s6, s17, $0xb8;
	[tilespmem:$0x16400] =	vst v63  }
0x46: {  	_ =	swait.ge [sflag:s25], $0x4000  }
0x47: {  	s4 =	sadd.s32 $0x0, s15;
	[sflag:s25] =	ssyncset.done $0x0  }
0x48: {  	s20 =	sadd.s32 $0x2800, s4;
	[sflag:s25] =	ssyncadd.s32 $0xFFFFC000  }
0x49: {  	[hbm4b:s20+s2] =	stream.linear.scatter [tilespmem:s19], [sflag:$0x6], $0x4000, $0x38;
	[tilespmem:$0x16400] =	vst v63  }
0x4a: {  	_ =	swait.ge [sflag:s26], $0x4000  }
0x4b: {  	[sflag:s26] =	ssyncset.done $0x0  }
0x4c: {  	s7 =	simm.s32 $0x400;
	[sflag:s26] =	ssyncadd.s32 $0xFFFFC000  }
0x4d: {  	[tilespmem:s18], [sflag:$0x1] =	stream.indirect.gather [hbm4b:s3+s17], $0x80, s7, s17, $0xb8;
	[tilespmem:$0x16400] =	vst v63  }
0x4e: {  	_ =	swait.ge [sflag:s29], $0x4000  }
0x4f: {  	[sflag:s29] =	ssyncset.done $0x0  }
0x50: {  	s6 =	sadd.s32 $0x3000, s4;
	[sflag:s29] =	ssyncadd.s32 $0xFFFFC000  }
0x51: {  	[hbm4b:s6+s2] =	stream.linear.scatter [tilespmem:s21], [sflag:$0x7], $0x4000, $0x38;
	[tilespmem:$0x16400] =	vst v63  }
0x52: {  	_ =	swait.ge [sflag:s30], $0x4000  }
0x53: {  	[sflag:s30] =	ssyncset.done $0x0  }
0x54: {  	s7 =	simm.s32 $0x480;
	[sflag:s30] =	ssyncadd.s32 $0xFFFFC000  }
0x55: {  	[tilespmem:s19], [sflag:$0x2] =	stream.indirect.gather [hbm4b:s3+s17], $0x80, s7, s17, $0xb8;
	[tilespmem:$0x16400] =	vst v63  }
0x56: {  	_ =	swait.ge [sflag:s0], $0x4000  }
0x57: {  	[sflag:s0] =	ssyncset.done $0x0  }
0x58: {  	s4 =	sadd.s32 $0x3800, s4;
	[sflag:s0] =	ssyncadd.s32 $0xFFFFC000  }
0x59: {  	[hbm4b:s4+s2] =	stream.linear.scatter [tilespmem:s24], [sflag:$0x8], $0x4000, $0x38;
	[tilespmem:$0x16400] =	vst v63  }
0x5a: {  	_ =	swait.ge [sflag:s1], $0x4000  }
0x5b: {  	s28 =	simm.s32 $0x2000;
	[sflag:s1] =	ssyncset.done $0x0  }
0x5c: {  	s20 =	simm.s32 $0x500;
	s4 =	simm.s32 $0x700;
	[sflag:s1] =	ssyncadd.s32 $0xFFFFC000  }
.LBB2_2:
0x5d: {  	[tilespmem:s21], [sflag:$0x3] =	stream.indirect.gather [hbm4b:s3+s17], $0x80, s20, s17, $0xb8;
	[tilespmem:$0x16400] =	vst v63  }
0x5e: {  	s6 =	smov.u32 s28;
	s20 =	smov.u32 s4  }
0x5f: {  	p0 =	sne.s32 s28, $0x5E000;
	s28 =	sadd.s32 $0x2000, s28;
	_ =	swait.ge [sflag:s22], $0x4000  }
0x60: {  	[sflag:s22] =	ssyncset.done $0x0  }
0x61: {  	s7 =	sadd.s32 s6, s14;
	[sflag:s22] =	ssyncadd.s32 $0xFFFFC000  }
0x62: {  	[hbm4b:s7+s2] =	stream.linear.scatter [tilespmem:s18], [sflag:$0x5], $0x4000, $0x38;
	[tilespmem:$0x16400] =	vst v63  }
0x63: {  	_ =	swait.ge [sflag:s23], $0x4000  }
0x64: {  	[sflag:s23] =	ssyncset.done $0x0  }
0x65: {  	s7 =	sadd.s32 $0xFFFFFE80, s4;
	[sflag:s23] =	ssyncadd.s32 $0xFFFFC000  }
0x66: {  	[tilespmem:s24], [sflag:$0x4] =	stream.indirect.gather [hbm4b:s3+s17], $0x80, s7, s17, $0xb8;
	[tilespmem:$0x16400] =	vst v63  }
0x67: {  	_ =	swait.ge [sflag:s25], $0x4000  }
0x68: {  	s6 =	sadd.s32 s6, s15;
	[sflag:s25] =	ssyncset.done $0x0  }
0x69: {  	s7 =	sadd.s32 $0x2800, s6;
	[sflag:s25] =	ssyncadd.s32 $0xFFFFC000  }
0x6a: {  	[hbm4b:s7+s2] =	stream.linear.scatter [tilespmem:s19], [sflag:$0x6], $0x4000, $0x38;
	[tilespmem:$0x16400] =	vst v63  }
0x6b: {  	_ =	swait.ge [sflag:s26], $0x4000  }
0x6c: {  	[sflag:s26] =	ssyncset.done $0x0  }
0x6d: {  	s7 =	sadd.s32 $0xFFFFFF00, s4;
	[sflag:s26] =	ssyncadd.s32 $0xFFFFC000  }
0x6e: {  	[tilespmem:s18], [sflag:$0x1] =	stream.indirect.gather [hbm4b:s3+s17], $0x80, s7, s17, $0xb8;
	[tilespmem:$0x16400] =	vst v63  }
0x6f: {  	_ =	swait.ge [sflag:s29], $0x4000  }
0x70: {  	[sflag:s29] =	ssyncset.done $0x0  }
0x71: {  	s7 =	sadd.s32 $0x3000, s6;
	[sflag:s29] =	ssyncadd.s32 $0xFFFFC000  }
0x72: {  	[hbm4b:s7+s2] =	stream.linear.scatter [tilespmem:s21], [sflag:$0x7], $0x4000, $0x38;
	[tilespmem:$0x16400] =	vst v63  }
0x73: {  	_ =	swait.ge [sflag:s30], $0x4000  }
0x74: {  	[sflag:s30] =	ssyncset.done $0x0  }
0x75: {  	s7 =	sadd.s32 $0xFFFFFF80, s4;
	[sflag:s30] =	ssyncadd.s32 $0xFFFFC000  }
0x76: {  	[tilespmem:s19], [sflag:$0x2] =	stream.indirect.gather [hbm4b:s3+s17], $0x80, s7, s17, $0xb8;
	[tilespmem:$0x16400] =	vst v63  }
0x77: {  	_ =	swait.ge [sflag:s0], $0x4000  }
0x78: {  	[sflag:s0] =	ssyncset.done $0x0  }
.Ltmp0:
0x79: {  	s6 =	sadd.s32 $0x3800, s6;
	[sflag:s0] =	ssyncadd.s32 $0xFFFFC000;
	(pc) =	sbr.rel @p0 .LBB2_2-.Ltmp0, $4  }
0x7a: {  	[hbm4b:s6+s2] =	stream.linear.scatter [tilespmem:s24], [sflag:$0x8], $0x4000, $0x38;
	[tilespmem:$0x16400] =	vst v63  }
0x7b: {  	_ =	swait.ge [sflag:s1], $0x4000  }
0x7c: {  	[sflag:s1] =	ssyncset.done $0x0  }
0x7d: {  	s4 =	sadd.s32 $0x200, s4;
	[sflag:s1] =	ssyncadd.s32 $0xFFFFC000  }
0x7e: {  	[tilespmem:s21], [sflag:$0x3] =	stream.indirect.gather [hbm4b:s3+s17], $0x80, s20, s17, $0xb8;
	[tilespmem:$0x16400] =	vst v63  }
0x7f: {  	_ =	swait.ge [sflag:s22], $0x4000  }
0x80: {  	[sflag:s22] =	ssyncset.done $0x0  }
0x81: {  	[sflag:s22] =	ssyncadd.s32 $0xFFFFC000  }
0x82: {  	[hbm4b:s9+s2] =	stream.linear.scatter [tilespmem:s18], [sflag:$0x5], $0x4000, $0x38;
	[tilespmem:$0x16400] =	vst v63  }
0x83: {  	_ =	swait.ge [sflag:s23], $0x4000  }
0x84: {  	[sflag:s23] =	ssyncset.done $0x0  }
0x85: {  	s4 =	simm.s32 $0x6380;
	[sflag:s23] =	ssyncadd.s32 $0xFFFFC000  }
0x86: {  	[tilespmem:s24], [sflag:$0x4] =	stream.indirect.gather [hbm4b:s3+s17], $0x80, s4, s17, $0xb8;
	[tilespmem:$0x16400] =	vst v63  }
0x87: {  	_ =	swait.ge [sflag:s25], $0x4000  }
0x88: {  	[sflag:s25] =	ssyncset.done $0x0  }
0x89: {  	[sflag:s25] =	ssyncadd.s32 $0xFFFFC000  }
0x8a: {  	[hbm4b:s10+s2] =	stream.linear.scatter [tilespmem:s19], [sflag:$0x6], $0x4000, $0x38;
	[tilespmem:$0x16400] =	vst v63  }
0x8b: {  	_ =	swait.ge [sflag:s29], $0x4000  }
0x8c: {  	[sflag:s29] =	ssyncset.done $0x0  }
0x8d: {  	[sflag:s29] =	ssyncadd.s32 $0xFFFFC000  }
0x8e: {  	[hbm4b:s11+s2] =	stream.linear.scatter [tilespmem:s21], [sflag:$0x7], $0x4000, $0x38;
	[tilespmem:$0x16400] =	vst v63  }
0x8f: {  	_ =	swait.ge [sflag:s0], $0x4000  }
0x90: {  	[sflag:s0] =	ssyncset.done $0x0  }
0x91: {  	[sflag:s0] =	ssyncadd.s32 $0xFFFFC000  }
0x92: {  	[hbm4b:s12+s2] =	stream.linear.scatter [tilespmem:s24], [sflag:$0x8], $0x4000, $0x38;
	[tilespmem:$0x16400] =	vst v63  }
0x93: {  	_ =	swait.ge [sflag:s26], $0x4000  }
0x94: {  	[sflag:s26] =	ssyncset.done $0x0  }
0x95: {  	[sflag:s26] =	ssyncadd.s32 $0xFFFFC000  }
0x96: {  	_ =	swait.ge [sflag:s30], $0x4000  }
0x97: {  	[sflag:s30] =	ssyncset.done $0x0  }
0x98: {  	s31 =	sadd.s32 $0x1, s31;
	[sflag:s30] =	ssyncadd.s32 $0xFFFFC000  }
0x99: {  	p0 =	sne.s32 s31, s13;
	_ =	swait.ge [sflag:s1], $0x4000  }
.Ltmp1:
0x9a: {  	[sflag:s1] =	ssyncset.done $0x0;
	(pc) =	sbr.rel @p0 .LBB2_1-.Ltmp1, $4  }
0x9b: {  	[sflag:s1] =	ssyncadd.s32 $0xFFFFC000  }
0x9c: {  	_ =	swait.ge [sflag:s23], $0x4000  }
0x9d: {  	[sflag:s23] =	ssyncset.done $0x0  }
0x9e: {  	[sflag:s23] =	ssyncadd.s32 $0xFFFFC000  }
0x9f: {  	_ =	sfence.sel $0x180000  }
0xa0: {  	[bflag:$0x0] =	sbarrier.arrive $0xFFFF  }
0xa1: {  	_ =	strace $0x90000047  }
0xa2: {  	s0 =	stileid.u32;
	[bflag:$0x2] =	sbarrier.arrive $0xFFFF  }
0xa3: {  	p0 =	sne.s32 s0, $0x0;
	s0 =	rddreg [dreg:$0x2]  }
0xa4: {  	s0 =	sadd.s32 @!p0 $0x100000, s0  }
0xa5: {  	[sflag:s0] =	ssyncadd.tile.s32 @!p0 $0x1;
	_ =	shalt  }
.Lfunc_end2:
_tile_overlayer_lowered:
.L_overlay_start_2:
0xa6: {  	(tag) =	ssettag $0x2  }
0xa7: {  	s0 =	rddreg [dreg:$0x0];
	s2 =	stileid.u32  }
0xa8: {  	s1 =	rddreg [dreg:$0x1];
	p0 =	sne.s32 s2, $0x0  }
0xa9: {  	s3 =	rddreg [dreg:$0x2];
	[bflag:$0x3] =	sbarrier.arrive $0xFFFF;
	s2 =	simm.s32 @!p0 $0x1C09  }
0xaa: {  	[timem:s3], [sflag:s2] =	dma.local @!p0 [hbm:s0], s1  }
0xab: {  	s0 =	simm.s32 @!p0 $0x9  }
0xac: {  	_ =	swait.ge @!p0 [sflag:s0], s1  }
0xad: {  	s1 =	ssub.s32 @!p0 $0x0, s1;
	[sflag:s0] =	ssyncset.done @!p0 $0x0  }
0xae: {  	[sflag:s0] =	ssyncadd.s32 @!p0 s1  }
0xaf: {  	[bflag:$0x3] =	sbarrier.arrive $0xFFFF  }
0xb0: {  	_ =	shalt  }

// kernel: sparse-core-data-format-call.cloned.1.call-start
scs
called_computation_lowered:
.L_overlay_start_0:
0x0: {  	s2 =	sld [smem:$0x3FD9]  }
0x1: {  	s3 =	sld [smem:$0x3FFE];
	_ =	sdelay $0x1  }
0x2: {  	s1 =	srdreg.scid  }
0x3: {  	s0 =	sand.u32 $0x1, s1  }
0x4: {  	s18 =	sshll.u32 s0, $0xA;
	s2 =	sadd.s32 s3, s2  }
0x5: {  	s2 =	sadd.s32 s2, s18  }
0x6: {  	[smem:$0x3FC6] =	sst s2  }
0x7: {  	_ = 	snop  }
0x8: {  	s2 =	sld [smem:$0x3FD0];
	(tm) =	ssettm $0x1  }
0x9: {  	s19 =	sld [smem:$0x3FFB];
	_ =	sdelay $0x3  }
0xa: {  	_ =	strace s19  }
0xb: {  	s3 =	sld [smem:$0x3FFC];
	_ =	sdelay $0x3  }
0xc: {  	_ =	strace s3  }
0xd: {  	s3 =	sld [smem:$0x3FFD];
	_ =	sdelay $0x3  }
0xe: {  	_ =	strace s3  }
0xf: {  	_ =	strace $0x8FFFFFFF  }
0x10: {  	s20 =	sld [smem:$0x3FDB];
	_ =	sdelay $0x1  }
0x11: {  	s4 =	simm.s32 $_scs_section_size  }
0x12: {  	s5 =	simm.s32 $_size__tile_overlayer_lowered;
	s6 =	simm.s32 $_tile_overlayer_lowered  }
0x13: {  	s23 =	simm.s32 $0x1BFF;
	s22 =	sshll.u32 s6, $0x1;
	s3 =	sadd.s32 s4, s20  }
0x14: {  	s7 =	simm.s32 $0x0;
	s21 =	sshll.u32 s5, $0x1;
	s5 =	sadd.s32 s22, s3  }
0x15: {  	[timem:s7], [sflag:s23] =	dma.local [hbm:s5], s21  }
0x16: {  	_ =	swait.ge [sflag:s23], s21  }
0x17: {  	s4 =	ssub.s32 $0x0, s21;
	[sflag:s23] =	ssyncset.done $0x0  }
0x18: {  	[sflag:s23] =	ssyncadd.s32 s4;
	_ =	sdelay $0x1  }
0x19: {  	s24 =	simm.s32 $0x1B8B  }
0x1a: {  	_ =	swait.ge [sflag:s24], $0x1  }
0x1b: {  	[sflag:s24] =	ssyncset.done $0x0  }
0x1c: {  	s26 =	simm.s32 $0x1B8E;
	s25 =	sld [smem:$0x3FFE];
	[sflag:s24] =	ssyncadd.s32 $0xFFFFFFFF  }
0x1d: {  	s27 =	simm.s32 $execute0_lowered;
	[smem:$0x3FD2] =	sst s26  }
0x1e: {  	s5 =	sshll.u32 s27, $0x1;
	_ =	strace $0x80000049;
	[dreg:$0x1] =	wrdreg $0xFFFFFFFF  }
0x1f: {  	s28 =	simm.s32 $_size_execute0_lowered;
	s3 =	sadd.s32 s3, s5;
	[dreg:$0x0] =	wrdreg $0x0  }
0x20: {  	s5 =	sshll.u32 s28, $0x1;
	[dreg:$0x2] =	wrdreg s3  }
0x21: {  	[dreg:$0x3] =	wrdreg s5  }
0x22: {  	[dreg:$0x4] =	wrdreg $0xC0  }
0x23: {  	_ =	task [dreg:s7], $0x5FFFF  }
0x24: {  	[dreg:$0x1] =	wrdreg $0xFFFFFFFF  }
0x25: {  	[dreg:$0x0] =	wrdreg $0x60  }
0x26: {  	[dreg:$0x2] =	wrdreg s25  }
0x27: {  	[dreg:$0x3] =	wrdreg s2  }
0x28: {  	[dreg:$0x4] =	wrdreg $0x9  }
0x29: {  	_ =	task.clear_ibuf [dreg:s7], $0x5FFFF;
	_ =	strace $0x90000049  }
0x2a: {  	s29 =	simm.s32 $0x9;
	_ =	strace $0x8000004B  }
0x2b: {  	_ =	swait.ge [sflag:s29], $0x1  }
0x2c: {  	[sflag:s29] =	ssyncadd.s32 $0xFFFFFFFF  }
0x2d: {  	_ =	strace $0x9000004B  }
0x2e: {  	_ =	sfence  }
0x2f: {  	s30 =	sld [smem:$0x0];
	_ =	sdelay $0x2  }
0x30: {  	s31 =	sshll.u32 s1, $0xD;
	s1 =	sshrl.u32 s1, $0x2  }
0x31: {  	s3 =	sand.u32 $0x4000, s31;
	s1 =	sadd.s32 s1, s30  }
0x32: {  	s0 =	sor.u32 s3, s0;
	s1 =	sshll.u32 s1, $0x11  }
0x33: {  	s0 =	sor.u32 s1, s0  }
0x34: {  	s0 =	sadd.s32 $0x8F2B, s0  }
0x35: {  	[sflag:s0] =	ssyncadd.remote.s32 $0x1  }
0x36: {  	_ =	sfence.sel $0xFFFF  }
0x37: {  	[dreg:$0x0] =	wrdreg $0xFFFFFFFF;
	(pc) =	sbr.abs _section_cstart, $3  }
0x38: {  	[dreg:$0x1] =	wrdreg $0xFFFFFFFF  }
0x39: {  	_ =	task.clear_ibuf [dreg:s7], $0x2FFFF;
	_ =	strace $0x9FFFFFFF  }
0x3a: {  	(tm) =	ssettm $0x7FFFFFFF  }
0x3b: {  	_ =	shalt  }
tec
execute0_lowered:
.L_overlay_start_1:
0x0: {  	(tag) =	ssettag $0x1  }
0x1: {  	s0 =	srdreg.scid  }
0x2: {  	s1 =	sshll.u32 s0, $0x4  }
0x3: {  	s0 =	stileid.u32;
	s1 =	sand.u32 $0x10, s1  }
0x4: {  	s1 =	sor.u32 s0, s1  }
0x5: {  	s6 =	rddreg [dreg:$0x0];
	s4 =	simm.s32 $0x1;
	s2 =	sshll.u32 s1, $0x7  }
0x6: {  	s7 =	simm.s32 $0x2;
	s12 =	simm.s32 $0x0;
	s1 =	ssub.s32 $0x1000, s2  }
0x7: {  	s8 =	simm.s32 $0x8000;
	s13 =	simm.s32 $0x0;
	s3 =	sand.u32 $0xF80, s1  }
0x8: {  	s9 =	simm.s32 $0x0;
	s5 =	sshrl.u32 s1, $0xC;
	p0 =	sne.s32 s3, $0x0  }
.Ltmp0:
0x9: {  	s1 =	rddreg [dreg:$0x2];
	s4 =	simm.s32 @!p0 $0x0;
	(pc) =	sbr.rel .LBB1_1-.Ltmp0, $4  }
0xa: {  	s11 =	simm.s32 $0x0;
	s3 =	rddreg [dreg:$0x1];
	s5 =	sadd.s32 s4, s5  }
0xb: {  	_ =	strace $0x8000004A;
	s4 =	simm.s32 $0x1;
	s5 =	smul.u32 $0xC8, s5  }
0xc: {  	s6 =	sadd.s32 $0xA00, s6;
	s10 =	smov.u32 s2;
	[sflag:s4] =	ssyncpa.u1 $0x0  }
0xd: {  	p0 =	por $0x0, $0x0;
	[sflag:s7] =	ssyncpa.u1 $0x0;
	s7 =	sor.u32 $0x1, s5  }
.LBB1_4:
0xe: {  	s16 =	sshll.u32 s13, $0x3;
	s17 =	sand.u32 $0x78, s13  }
0xf: {  	s30 =	sand.u32 $0x7E00, s13;
	s12 =	sshll.u32 s12, $0xF;
	s16 =	sand.u32 $0xC00, s16  }
0x10: {  	[tilespmem:s15+$0x810 ss:$0x81] =	vst.msk $0xffff, v2;
	s31 =	sand.u32 $0x7, s13;
	s16 =	sor.u32 s17, s16;
	s17 =	sadd.s32 s3, s30  }
0x11: {  	[tilespmem:s15+$0x1020 ss:$0x81] =	vst.msk $0xffff, v0;
	s13 =	sshll.u32 s31, $0x12;
	s12 =	sadd.s32 s12, s17;
	s16 =	sshrl.u32 s16, $0x3  }
0x12: {  	[tilespmem:s15+$0x0 ss:$0x81] =	vst.msk $0xffff, v1;
	s13 =	sor.u32 $0x400, s13;
	s12 =	sadd.s32 s16, s12  }
0x13: {  	[hbm4b:s12+s13] =	stream.strided.scatter [tilespmem:s14], [sflag:$0x2], $0x2000, s8, s13, $0x20;
	[tilespmem:$0x8080] =	vst v63  }
.LBB1_5:
0x14: {  	s14 =	sadd.s32 $0x1, s9  }
0x15: {  	s12 =	sadd.s32 $0x1000, s10;
	s16 =	smov.u32 s10;
	p2 =	sgt.s32 s14, $0xC7  }
0x16: {  	s16 =	smov.u32 @p2 s12  }
0x17: {  	s14 =	simm.s32 @p2 $0x0;
	p2 =	sgt.s32 s16, $0xFFF  }
0x18: {  	s16 =	smov.u32 @p2 s2;
	p2 =	sne.s32 s11, s7  }
.Ltmp1:
0x19: {  	p1 =	slt.u32 s11, $0x2;
	(pc) =	sbr.rel @!p2 .LBB1_6-.Ltmp1, $4  }
0x1a: {  	s15 =	simm.s32 @!p1 $0x2  }
0x1b: {  	s13 =	smov.u32 s10;
	p0 =	por !p0, !p0;
	_ =	swait.ge @!p1 [sflag:s15], $0x2000  }
0x1c: {  	s12 =	smov.u32 s9;
	[sflag:s15] =	ssyncset.done @!p1 $0x0;
	s9 =	smov.u32 s14  }
0x1d: {  	s11 =	sadd.s32 $0x1, s11;
	[sflag:s15] =	ssyncadd.s32 @!p1 $0xFFFFE000;
	s10 =	smov.u32 s16  }
.LBB1_1:
0x1e: {  	p1 =	sge.u32 s11, s5  }
0x1f: {  	s14 =	sand.u32 @!p1 $0x1FFFFFF, s9  }
0x20: {  	s15 =	smulhi.u32 @!p1 $0x147AE15, s14;
	_ =	sdelay $0x1  }
0x21: {  	s15 =	smul.u32 @!p1 $0xC8, s15  }
0x22: {  	s16 =	sxor.u32 @!p1 $0xFFFFFFFF, s11;
	s17 =	smul.u32 @!p1 $0xC80, s10  }
0x23: {  	s31 =	sadd.s32 $0xFFFFFFFF, s11;
	s16 =	sshll.u32 @!p1 s16, $0xD;
	s14 =	ssub.s32 @!p1 s14, s15  }
0x24: {  	s15 =	sand.u32 @!p1 $0x2000, s16;
	s16 =	sadd.s32 @!p1 s6, s17;
	s14 =	sshll.u32 @!p1 s14, $0x4  }
0x25: {  	s17 =	simm.s32 @!p1 $0x6400;
	s14 =	sadd.s32 @!p1 s14, s16;
	s16 =	simm.s32 @!p1 $0x40  }
0x26: {  	[tilespmem:s15], [sflag:$0x1] =	stream.strided.gather @!p1 [hbm4b:s14+s16], $0x2000, s17, s16, $0x38;
	[tilespmem:$0x8080] =	vst v63  }
0x27: {  	p1 =	sge.u32 s31, s5  }
.Ltmp2:
0x28: {  	_ = 	snop;
	(pc) =	sbr.rel @p1 .LBB1_5-.Ltmp2, $1  }
0x29: {  	_ =	sdelay $0x3  }
0x2a: {  	s14 =	simm.s32 $0x1  }
0x2b: {  	_ =	swait.ge [sflag:s4], $0x2000;
	s14 =	simm.s32 @!p0 $0x0  }
0x2c: {  	[sflag:s4] =	ssyncset.done $0x0;
	s15 =	sshll.u32 s14, $0xD  }
0x2d: {  	[sflag:s4] =	ssyncadd.s32 $0xFFFFE000;
	s18 =	sor.u32 $0x20, s15  }
0x2e: {  	s14 =	smul.u32 $0x8100, s14;
	v3 =	vld [tilespmem:s18+$0x10]  }
0x2f: {  	s30 =	sand.u32 $0x1, s11;
	v2 =	vld [tilespmem:s18+$0xFFFFFFF0]  }
0x30: {  	s15 =	smul.u32 $0x8100, s30;
	s14 =	sshrl.u32 s14, $0x2;
	v0 =	vld [tilespmem:s18+$0x0]  }
0x31: {  	v1 =	vld [tilespmem:s18+$0xFFFFFFE0];
	s16 =	sor.u32 $0x4000, s14  }
0x32: {  	s31 =	sshrl.u32 s15, $0x2;
	s15 =	sadd.s32 $0x0, s16  }
0x33: {  	s17 =	simm.s32 $0x4;
	s18 =	sadd.s32 $0x40, s18;
	s14 =	sor.u32 $0x4000, s31;
	[tilespmem:s15+$0x1830 ss:$0x81] =	vst.msk $0xffff, v3  }
.LBB1_3:
0x34: {  	v3 =	vld [tilespmem:s18+$0x10];
	p1 =	sne.s32 s17, $0x1FC;
	[tilespmem:s15+$0x810 ss:$0x81] =	vst.msk $0xffff, v2;
	s19 =	smov.u32 s17;
	s17 =	sadd.s32 $0x4, s17  }
.Ltmp3:
0x35: {  	v2 =	vld [tilespmem:s18+$0xFFFFFFF0];
	[tilespmem:s15+$0x1020 ss:$0x81] =	vst.msk $0xffff, v0;
	(pc) =	sbr.rel @p1 .LBB1_3-.Ltmp3, $4  }
0x36: {  	v0 =	vld [tilespmem:s18+$0x0];
	[tilespmem:s15+$0x0 ss:$0x81] =	vst.msk $0xffff, v1  }
0x37: {  	s15 =	sshra.s32 s19, $0x2;
	v1 =	vld [tilespmem:s18+$0xFFFFFFE0]  }
0x38: {  	s15 =	sadd.s32 s15, s16  }
0x39: {  	s18 =	sadd.s32 $0x40, s18;
	[tilespmem:s15+$0x1830 ss:$0x81] =	vst.msk $0xffff, v3  }
.Ltmp4:
0x3a: {  	_ = 	snop;
	(pc) =	sbr.rel .LBB1_4-.Ltmp4, $1  }
0x3b: {  	_ =	sdelay $0x3  }
.LBB1_6:
0x3c: {  	_ =	sfence.sel $0x180000  }
0x3d: {  	s2 =	simm.s32 $0x1;
	[bflag:$0x0] =	sbarrier.arrive $0xFFFF  }
0x3e: {  	s31 =	simm.s32 $0x2;
	[sflag:s2] =	ssyncpa.u1 $0x1  }
0x3f: {  	[sflag:s31] =	ssyncpa.u1 $0x1  }
0x40: {  	p0 =	sne.s32 s0, $0x0;
	_ =	strace $0x9000004A  }
0x41: {  	s0 =	sadd.s32 @!p0 $0x100000, s1;
	[bflag:$0x2] =	sbarrier.arrive $0xFFFF  }
0x42: {  	[sflag:s0] =	ssyncadd.tile.s32 @!p0 $0x1;
	_ =	shalt  }
.Lfunc_end1:
_tile_overlayer_lowered:
.L_overlay_start_2:
0x43: {  	(tag) =	ssettag $0x2  }
0x44: {  	s0 =	rddreg [dreg:$0x0];
	s2 =	stileid.u32  }
0x45: {  	s1 =	rddreg [dreg:$0x1];
	p0 =	sne.s32 s2, $0x0  }
0x46: {  	s3 =	rddreg [dreg:$0x2];
	[bflag:$0x3] =	sbarrier.arrive $0xFFFF;
	s2 =	simm.s32 @!p0 $0x1C01  }
0x47: {  	[timem:s3], [sflag:s2] =	dma.local @!p0 [hbm:s0], s1  }
0x48: {  	s0 =	simm.s32 @!p0 $0x1  }
0x49: {  	_ =	swait.ge @!p0 [sflag:s0], s1  }
0x4a: {  	s1 =	ssub.s32 @!p0 $0x0, s1;
	[sflag:s0] =	ssyncset.done @!p0 $0x0  }
0x4b: {  	[sflag:s0] =	ssyncadd.s32 @!p0 s1  }
0x4c: {  	[bflag:$0x3] =	sbarrier.arrive $0xFFFF  }
0x4d: {  	_ =	shalt  }

</sc_bundles>
